<compile_context>
chip_gen: v7x
topology: tpu7x:2x2x1
jax: 0.10.2.dev20260603
libtpu: 0.0.44.dev20260713+nightly
codegen_flags: <defaults>
</compile_context>

<pallas_src>
import functools

import jax
import jax.numpy as jnp
from jax import lax
from jax.experimental import pallas as pl
from jax.experimental.pallas import tpu as pltpu
from jax.experimental.pallas import tpu_sc as plsc

VOCAB = 100000
EMB_DIM = 16
PACK = EMB_DIM // 2
OUT_DIM = 10
BATCH = 16384
EPS = 1e-5


def _make_sc_gather(batch, dim, vocab):
    info = plsc.get_sparse_core_info()
    nc, ns = info.num_cores, info.num_subcores
    nw = nc * ns
    assert batch % (16 * nw) == 0
    bw = batch // nw
    mesh = plsc.VectorSubcoreMesh(core_axis_name="c", subcore_axis_name="s")

    @functools.partial(
        pl.kernel,
        mesh=mesh,
        out_type=jax.ShapeDtypeStruct((dim, batch), jnp.int32),
        scratch_types=[
            pltpu.VMEM_SHARED((dim, vocab), jnp.int32),
            pltpu.VMEM((bw,), jnp.int32),
            pltpu.VMEM((dim, bw), jnp.int32),
            pltpu.SemaphoreType.DMA,
            pltpu.SemaphoreType.DMA,
        ],
        compiler_params=pltpu.CompilerParams(use_tc_tiling_on_sc=False),
    )
    def gather_kernel(table_hbm, idx_hbm, out_hbm, shared_t, idx_v, stg,
                      sem_t, sem):
        sid = lax.axis_index("s")
        wid = sid * nc + lax.axis_index("c")
        base = wid * bw
        half = vocab // 2
        row = sid // 2
        col = (sid % 2) * half
        pltpu.async_copy(table_hbm.at[pl.ds(row, 1), pl.ds(col, half)],
                         shared_t.at[pl.ds(row, 1), pl.ds(col, half)],
                         sem_t)
        pltpu.sync_copy(idx_hbm.at[pl.ds(base, bw)], idx_v)
        pltpu.make_async_copy(
            table_hbm.at[pl.ds(row, 1), pl.ds(col, half)],
            shared_t.at[pl.ds(row, 1), pl.ds(col, half)], sem_t).wait()
        plsc.subcore_barrier()

        def fire(g):
            v = idx_v[pl.ds(g * 16, 16)]
            for j in range(16):
                pltpu.async_copy(
                    shared_t.at[:, pl.ds(v[j], 1)],
                    stg.at[:, pl.ds(g * 16 + j, 1)], sem)

        def drain(g):
            for j in range(16):
                pltpu.make_async_copy(
                    table_hbm.at[:, pl.ds(0, 1)],
                    stg.at[:, pl.ds(g * 16 + j, 1)], sem).wait()

        def body(g, carry):
            fire(g)

            @pl.when(g > 1)
            def _():
                drain(g - 2)

            return carry

        nch = bw // 16
        lax.fori_loop(0, nch, body, 0)
        drain(nch - 2)
        drain(nch - 1)
        pltpu.sync_copy(stg, out_hbm.at[:, pl.ds(base, bw)])

    return gather_kernel


def _tc_tail_body(ages_ref, feats_ref, gamma_ref, beta_ref, we_ref, wo_ref,
                  wa_ref, b_ref, out_ref):
    a = ages_ref[...]
    n = a.shape[1]
    mean = jnp.sum(a) / n
    centered = a - mean
    var = jnp.sum(centered * centered) / n
    a_hat = centered * lax.rsqrt(var + EPS)
    age_feat = a_hat * gamma_ref[0] + beta_ref[0]
    age_relu = jnp.maximum(age_feat, 0.0)
    packed = feats_ref[...]
    f_even = lax.bitcast_convert_type(
        lax.shift_left(packed, 16), jnp.float32)
    f_odd = lax.bitcast_convert_type(
        packed & jnp.int32(-65536), jnp.float32)
    f_even = jnp.maximum(f_even, 0.0)
    f_odd = jnp.maximum(f_odd, 0.0)
    out = lax.dot_general(
        we_ref[...], f_even, (((0,), (0,)), ((), ())),
        preferred_element_type=jnp.float32)
    out = out + lax.dot_general(
        wo_ref[...], f_odd, (((0,), (0,)), ((), ())),
        preferred_element_type=jnp.float32)
    out = out + wa_ref[...] * age_relu
    out = out + b_ref[...]
    out_ref[...] = out


def kernel(customer_ids, ages, emb_table, bn_gamma, bn_beta, W, b):
    u = lax.bitcast_convert_type(emb_table, jnp.uint32)
    r = (u + jnp.uint32(0x7FFF) + ((u >> 16) & jnp.uint32(1))) >> 16
    packed = (r[:, :PACK] | (r[:, PACK:] << 16)).astype(jnp.int32)
    packed = packed.T
    feats_p = _make_sc_gather(BATCH, PACK, VOCAB)(
        packed, customer_ids.astype(jnp.int32))
    out_t = pl.pallas_call(
        _tc_tail_body,
        out_shape=jax.ShapeDtypeStruct((OUT_DIM, BATCH), jnp.float32),
        in_specs=[
            pl.BlockSpec(memory_space=pltpu.VMEM),
            pl.BlockSpec(memory_space=pltpu.VMEM),
            pl.BlockSpec(memory_space=pltpu.SMEM),
            pl.BlockSpec(memory_space=pltpu.SMEM),
            pl.BlockSpec(memory_space=pltpu.VMEM),
            pl.BlockSpec(memory_space=pltpu.VMEM),
            pl.BlockSpec(memory_space=pltpu.VMEM),
            pl.BlockSpec(memory_space=pltpu.VMEM),
        ],
        out_specs=pl.BlockSpec(memory_space=pltpu.VMEM),
    )(ages.reshape(1, BATCH), feats_p, bn_gamma, bn_beta,
      W[0:PACK, :], W[PACK:EMB_DIM, :], W[EMB_DIM].reshape(OUT_DIM, 1),
      b.reshape(OUT_DIM, 1))
    return out_t.T

# --- scband reference (transcript-rebuilt; emitter-appended) ---
"""Pipeline reference for scband-query-tower-47991964565776 (READ-ONLY COPY).

The authoritative reference and input builder live on the scoring server;
editing this copy changes nothing except your own understanding.
"""

import jax, jax.numpy as jnp
import numpy as np

VOCAB = 100000
EMB_DIM = 16
OUT_DIM = 10
BATCH = 16384
EPS = 1e-5

def setup_inputs(seed: int = 0) -> dict:
    key = jax.random.key(seed)
    k1, k2, k3, k4, k5 = jax.random.split(key, 5)
    customer_ids = jax.random.randint(k1, (BATCH,), 0, VOCAB, dtype=jnp.int64 if jax.config.jax_enable_x64 else jnp.int32)
    ages = jax.random.uniform(k2, (BATCH,), dtype=jnp.float32)
    emb_table = jax.random.normal(k3, (VOCAB, EMB_DIM), dtype=jnp.float32)
    # BatchNorm1d(1) affine params
    bn_gamma = jnp.ones((1,), dtype=jnp.float32)
    bn_beta = jnp.zeros((1,), dtype=jnp.float32)
    # Linear(user_emb_dim + 1, output_dim)
    lim = 1.0 / np.sqrt(EMB_DIM + 1)
    W = jax.random.uniform(k4, (EMB_DIM + 1, OUT_DIM), dtype=jnp.float32, minval=-lim, maxval=lim)
    b = jax.random.uniform(k5, (OUT_DIM,), dtype=jnp.float32, minval=-lim, maxval=lim)
    return {"customer_ids": customer_ids, "ages": ages, "emb_table": emb_table, "bn_gamma": bn_gamma, "bn_beta": bn_beta, "W": W, "b": b}

def reference(customer_ids, ages, emb_table, bn_gamma, bn_beta, W, b):
    # Embedding lookup (gather)
    user_features = jnp.take(emb_table, customer_ids, axis=0)  # [B, EMB_DIM]
    # BatchNorm1d(1) in training mode: normalize over batch with biased variance
    a = ages.reshape(-1, 1)  # [B, 1]
    mean = jnp.mean(a, axis=0, keepdims=True)
    var = jnp.var(a, axis=0, keepdims=True)
    a_hat = (a - mean) / jnp.sqrt(var + EPS)
    age_features = a_hat * bn_gamma.reshape(1, 1) + bn_beta.reshape(1, 1)
    features = jnp.concatenate([user_features, age_features], axis=1)  # [B, EMB_DIM+1]
    features = jax.nn.relu(features)
    out = features @ W + b  # [B, OUT_DIM]
    return out

if __name__ == "__main__":
    import jax
    _d = setup_inputs()
    print(jax.jit(kernel)(*tuple(_d.values())))

</pallas_src>

<mosaic_0001>
#map = affine_map<(d0, d1) -> (0, 0)>
#map1 = affine_map<(d0, d1) -> (0)>
module attributes {stable_mosaic.version = 14 : i64} {
  func.func @gather_kernel(%arg0: i32, %arg1: i32, %arg2: memref<8x100000xi32, #tpu.memory_space<hbm>>, %arg3: memref<16384xi32, #tpu.memory_space<hbm>>, %arg4: memref<8x16384xi32, #tpu.memory_space<hbm>>, %arg5: memref<8x100000xi32, #tpu.memory_space<vmem_shared>>, %arg6: memref<512xi32, #tpu.memory_space<vmem>>, %arg7: memref<8x512xi32, #tpu.memory_space<vmem>>, %arg8: memref<!tpu.dma_semaphore, #tpu.memory_space<semaphore_mem>>, %arg9: memref<!tpu.dma_semaphore, #tpu.memory_space<semaphore_mem>>) attributes {dimension_semantics = [#tpu.dimension_semantics<core_parallel>, #tpu.dimension_semantics<subcore_parallel>], iteration_bounds = array<i64: 2, 16>, scalar_prefetch = 0 : i64, scratch_operands = 5 : i64, tpu.core_type = #tpu.core_type<sc_vector_subcore>, window_params = [{transform_indices = #map}, {transform_indices = #map1}, {transform_indices = #map}]} {
    %mul3A = arith.constant 2 : i32
    %mul3A_0 = arith.muli %arg1, %mul3A : i32
    %add3A = arith.addi %mul3A_0, %arg0 : i32
    %mul3A_1 = arith.constant 512 : i32
    %mul3A_2 = arith.muli %add3A, %mul3A_1 : i32
    %jit3A = arith.constant 2 : i32
    %div3A = arith.divsi %arg1, %jit3A : i32
    %sign3A = arith.constant 0 : i32
    %sign3A_3 = arith.cmpi sgt, %arg1, %sign3A : i32
    %sign3A_4 = arith.extui %sign3A_3 : i1 to i32
    %sign3A_5 = arith.constant 0 : i32
    %sign3A_6 = arith.cmpi slt, %arg1, %sign3A_5 : i32
    %sign3A_7 = arith.extui %sign3A_6 : i1 to i32
    %sign3A_8 = arith.subi %sign3A_4, %sign3A_7 : i32
    %sign3A_9 = arith.constant 0 : i32
    %sign3A_10 = arith.cmpi sgt, %jit3A, %sign3A_9 : i32
    %sign3A_11 = arith.extui %sign3A_10 : i1 to i32
    %sign3A_12 = arith.constant 0 : i32
    %sign3A_13 = arith.cmpi slt, %jit3A, %sign3A_12 : i32
    %sign3A_14 = arith.extui %sign3A_13 : i1 to i32
    %sign3A_15 = arith.subi %sign3A_11, %sign3A_14 : i32
    %ne3A = arith.cmpi ne, %sign3A_8, %sign3A_15 : i32
    %rem3A = arith.remsi %arg1, %jit3A : i32
    %ne3A_16 = arith.constant 0 : i32
    %ne3A_17 = arith.cmpi ne, %rem3A, %ne3A_16 : i32
    %and3A = arith.andi %ne3A, %ne3A_17 : i1
    %sub3A = arith.constant 1 : i32
    %sub3A_18 = arith.subi %div3A, %sub3A : i32
    %select_n3A = arith.select %and3A, %sub3A_18, %div3A : i32
    %jit3A_19 = arith.constant 2 : i32
    %eq3A = arith.constant 0 : i32
    %eq3A_20 = arith.cmpi eq, %jit3A_19, %eq3A : i32
    %jit3A_21 = arith.constant 1 : i32
    %select_n3A_22 = arith.select %eq3A_20, %jit3A_21, %jit3A_19 : i32
    %rem3A_23 = arith.remsi %arg1, %select_n3A_22 : i32
    %ne3A_24 = arith.constant 0 : i32
    %ne3A_25 = arith.cmpi ne, %rem3A_23, %ne3A_24 : i32
    %lt3A = arith.constant 0 : i32
    %lt3A_26 = arith.cmpi slt, %rem3A_23, %lt3A : i32
    %lt3A_27 = arith.constant 0 : i32
    %lt3A_28 = arith.cmpi slt, %select_n3A_22, %lt3A_27 : i32
    %ne3A_29 = arith.xori %lt3A_26, %lt3A_28 : i1
    %and3A_30 = arith.andi %ne3A_29, %ne3A_25 : i1
    %add3A_31 = arith.addi %rem3A_23, %select_n3A_22 : i32
    %select_n3A_32 = arith.select %and3A_30, %add3A_31, %rem3A_23 : i32
    %mul3A_33 = arith.constant 50000 : i32
    %mul3A_34 = arith.muli %select_n3A_32, %mul3A_33 : i32
    %dma_start3A = tpu.memref_slice %arg5[%select_n3A, %mul3A_34] : memref<8x100000xi32, #tpu.memory_space<vmem_shared>> -> memref<1x50000xi32, #tpu.memory_space<vmem_shared>>
    %dma_start3A_35 = tpu.memref_slice %arg2[%select_n3A, %mul3A_34] : memref<8x100000xi32, #tpu.memory_space<hbm>> -> memref<1x50000xi32, #tpu.memory_space<hbm>>
    tpu.enqueue_dma source(%dma_start3A_35 : memref<1x50000xi32, #tpu.memory_space<hbm>>) target(%dma_start3A : memref<1x50000xi32, #tpu.memory_space<vmem_shared>>) target_semaphore(%arg8 : memref<!tpu.dma_semaphore, #tpu.memory_space<semaphore_mem>>)
    "tpu.region"() ({
      %run_scoped3A = tpu.sem_alloc : memref<!tpu.dma_semaphore, #tpu.memory_space<semaphore_mem>>
      %dma_start3A_426 = tpu.memref_slice %arg3[%mul3A_2] : memref<16384xi32, #tpu.memory_space<hbm>> -> memref<512xi32, #tpu.memory_space<hbm>>
      %dma_start3A_427 = tpu.memref_slice %arg3[%mul3A_2] : memref<16384xi32, #tpu.memory_space<hbm>> -> memref<512xi32, #tpu.memory_space<hbm>>
      tpu.enqueue_dma source(%dma_start3A_427 : memref<512xi32, #tpu.memory_space<hbm>>) target(%arg6 : memref<512xi32, #tpu.memory_space<vmem>>) target_semaphore(%run_scoped3A : memref<!tpu.dma_semaphore, #tpu.memory_space<semaphore_mem>>)
      %dma_wait3A_428 = tpu.memref_slice %arg3[%mul3A_2] : memref<16384xi32, #tpu.memory_space<hbm>> -> memref<512xi32, #tpu.memory_space<hbm>>
      %dma_wait3A_429 = tpu.memref_slice %arg3[%mul3A_2] : memref<16384xi32, #tpu.memory_space<hbm>> -> memref<512xi32, #tpu.memory_space<hbm>>
      tpu.wait_dma2 semaphore(%run_scoped3A : memref<!tpu.dma_semaphore, #tpu.memory_space<semaphore_mem>>) src(%dma_wait3A_429 : memref<512xi32, #tpu.memory_space<hbm>>) dst(%arg6 : memref<512xi32, #tpu.memory_space<vmem>>)
      tpu.yield
    }) : () -> ()
    %dma_wait3A = tpu.memref_slice %arg5[%select_n3A, %mul3A_34] : memref<8x100000xi32, #tpu.memory_space<vmem_shared>> -> memref<1x50000xi32, #tpu.memory_space<vmem_shared>>
    %dma_wait3A_36 = tpu.memref_slice %arg2[%select_n3A, %mul3A_34] : memref<8x100000xi32, #tpu.memory_space<hbm>> -> memref<1x50000xi32, #tpu.memory_space<hbm>>
    tpu.wait_dma2 semaphore(%arg8 : memref<!tpu.dma_semaphore, #tpu.memory_space<semaphore_mem>>) src(%dma_wait3A_36 : memref<1x50000xi32, #tpu.memory_space<hbm>>) dst(%dma_wait3A : memref<1x50000xi32, #tpu.memory_space<vmem_shared>>)
    %barrier3A = arith.constant 0 : index
    tpu.barrier barrier_id(%barrier3A)
    %scan3A = arith.constant 0 : i32
    %scan3A_37 = arith.constant 0 : i32
    %scan3A_38 = arith.constant 32 : i32
    %scan3A_39 = arith.addi %scan3A_37, %scan3A_38 : i32
    %scan3A_40 = arith.constant 1 : i32
    scf.for %scan3A_426 = %scan3A_37 to %scan3A_39 step %scan3A_40  : i32 {
      %mul3A_427 = arith.constant 16 : i32
      %mul3A_428 = arith.muli %scan3A_426, %mul3A_427 : i32
      %get3A = arith.index_cast %mul3A_428 : i32 to index
      %get3A_429 = tpu.vector_load %arg6[%get3A] {strides = array<i32>} : memref<512xi32, #tpu.memory_space<vmem>>, vector<16xi32>,
      %get3A_430 = vector.shape_cast %get3A_429 : vector<16xi32> to vector<16xi32>
      %slice3A = vector.extract_strided_slice %get3A_430 {offsets = [0], sizes = [1], strides = [1]} : vector<16xi32> to vector<1xi32>
      %squeeze3A = vector.extract %slice3A[0] : i32 from vector<1xi32>
      %mul3A_431 = arith.constant 16 : i32
      %mul3A_432 = arith.muli %scan3A_426, %mul3A_431 : i32
      %add3A_433 = arith.constant 0 : i32
      %add3A_434 = arith.addi %mul3A_432, %add3A_433 : i32
      %dma_start3A_435 = arith.constant 0 : i32
      %dma_start3A_436 = tpu.memref_slice %arg7[%dma_start3A_435, %add3A_434] : memref<8x512xi32, #tpu.memory_space<vmem>> -> memref<8x1xi32, #tpu.memory_space<vmem>>
      %dma_start3A_437 = arith.constant 0 : i32
      %dma_start3A_438 = tpu.memref_slice %arg5[%dma_start3A_437, %squeeze3A] : memref<8x100000xi32, #tpu.memory_space<vmem_shared>> -> memref<8x1xi32, #tpu.memory_space<vmem_shared>>
      %dma_start3A_439 = arith.constant 0 : i32
      %dma_start3A_440 = tpu.memref_slice %arg7[%dma_start3A_439, %add3A_434] : memref<8x512xi32, #tpu.memory_space<vmem>> -> memref<8x1xi32, #tpu.memory_space<vmem>>
      %dma_start3A_441 = arith.constant 0 : i32
      %dma_start3A_442 = tpu.memref_slice %arg5[%dma_start3A_441, %squeeze3A] : memref<8x100000xi32, #tpu.memory_space<vmem_shared>> -> memref<8x1xi32, #tpu.memory_space<vmem_shared>>
      tpu.enqueue_dma source(%dma_start3A_442 : memref<8x1xi32, #tpu.memory_space<vmem_shared>>) target(%dma_start3A_440 : memref<8x1xi32, #tpu.memory_space<vmem>>) target_semaphore(%arg9 : memref<!tpu.dma_semaphore, #tpu.memory_space<semaphore_mem>>)
      %slice3A_443 = vector.extract_strided_slice %get3A_430 {offsets = [1], sizes = [1], strides = [1]} : vector<16xi32> to vector<1xi32>
      %squeeze3A_444 = vector.extract %slice3A_443[0] : i32 from vector<1xi32>
      %mul3A_445 = arith.constant 16 : i32
      %mul3A_446 = arith.muli %scan3A_426, %mul3A_445 : i32
      %add3A_447 = arith.constant 1 : i32
      %add3A_448 = arith.addi %mul3A_446, %add3A_447 : i32
      %dma_start3A_449 = arith.constant 0 : i32
      %dma_start3A_450 = tpu.memref_slice %arg7[%dma_start3A_449, %add3A_448] : memref<8x512xi32, #tpu.memory_space<vmem>> -> memref<8x1xi32, #tpu.memory_space<vmem>>
      %dma_start3A_451 = arith.constant 0 : i32
      %dma_start3A_452 = tpu.memref_slice %arg5[%dma_start3A_451, %squeeze3A_444] : memref<8x100000xi32, #tpu.memory_space<vmem_shared>> -> memref<8x1xi32, #tpu.memory_space<vmem_shared>>
      %dma_start3A_453 = arith.constant 0 : i32
      %dma_start3A_454 = tpu.memref_slice %arg7[%dma_start3A_453, %add3A_448] : memref<8x512xi32, #tpu.memory_space<vmem>> -> memref<8x1xi32, #tpu.memory_space<vmem>>
      %dma_start3A_455 = arith.constant 0 : i32
      %dma_start3A_456 = tpu.memref_slice %arg5[%dma_start3A_455, %squeeze3A_444] : memref<8x100000xi32, #tpu.memory_space<vmem_shared>> -> memref<8x1xi32, #tpu.memory_space<vmem_shared>>
      tpu.enqueue_dma source(%dma_start3A_456 : memref<8x1xi32, #tpu.memory_space<vmem_shared>>) target(%dma_start3A_454 : memref<8x1xi32, #tpu.memory_space<vmem>>) target_semaphore(%arg9 : memref<!tpu.dma_semaphore, #tpu.memory_space<semaphore_mem>>)
      %slice3A_457 = vector.extract_strided_slice %get3A_430 {offsets = [2], sizes = [1], strides = [1]} : vector<16xi32> to vector<1xi32>
      %squeeze3A_458 = vector.extract %slice3A_457[0] : i32 from vector<1xi32>
      %mul3A_459 = arith.constant 16 : i32
      %mul3A_460 = arith.muli %scan3A_426, %mul3A_459 : i32
      %add3A_461 = arith.constant 2 : i32
      %add3A_462 = arith.addi %mul3A_460, %add3A_461 : i32
      %dma_start3A_463 = arith.constant 0 : i32
      %dma_start3A_464 = tpu.memref_slice %arg7[%dma_start3A_463, %add3A_462] : memref<8x512xi32, #tpu.memory_space<vmem>> -> memref<8x1xi32, #tpu.memory_space<vmem>>
      %dma_start3A_465 = arith.constant 0 : i32
      %dma_start3A_466 = tpu.memref_slice %arg5[%dma_start3A_465, %squeeze3A_458] : memref<8x100000xi32, #tpu.memory_space<vmem_shared>> -> memref<8x1xi32, #tpu.memory_space<vmem_shared>>
      %dma_start3A_467 = arith.constant 0 : i32
      %dma_start3A_468 = tpu.memref_slice %arg7[%dma_start3A_467, %add3A_462] : memref<8x512xi32, #tpu.memory_space<vmem>> -> memref<8x1xi32, #tpu.memory_space<vmem>>
      %dma_start3A_469 = arith.constant 0 : i32
      %dma_start3A_470 = tpu.memref_slice %arg5[%dma_start3A_469, %squeeze3A_458] : memref<8x100000xi32, #tpu.memory_space<vmem_shared>> -> memref<8x1xi32, #tpu.memory_space<vmem_shared>>
      tpu.enqueue_dma source(%dma_start3A_470 : memref<8x1xi32, #tpu.memory_space<vmem_shared>>) target(%dma_start3A_468 : memref<8x1xi32, #tpu.memory_space<vmem>>) target_semaphore(%arg9 : memref<!tpu.dma_semaphore, #tpu.memory_space<semaphore_mem>>)
      %slice3A_471 = vector.extract_strided_slice %get3A_430 {offsets = [3], sizes = [1], strides = [1]} : vector<16xi32> to vector<1xi32>
      %squeeze3A_472 = vector.extract %slice3A_471[0] : i32 from vector<1xi32>
      %mul3A_473 = arith.constant 16 : i32
      %mul3A_474 = arith.muli %scan3A_426, %mul3A_473 : i32
      %add3A_475 = arith.constant 3 : i32
      %add3A_476 = arith.addi %mul3A_474, %add3A_475 : i32
      %dma_start3A_477 = arith.constant 0 : i32
      %dma_start3A_478 = tpu.memref_slice %arg7[%dma_start3A_477, %add3A_476] : memref<8x512xi32, #tpu.memory_space<vmem>> -> memref<8x1xi32, #tpu.memory_space<vmem>>
      %dma_start3A_479 = arith.constant 0 : i32
      %dma_start3A_480 = tpu.memref_slice %arg5[%dma_start3A_479, %squeeze3A_472] : memref<8x100000xi32, #tpu.memory_space<vmem_shared>> -> memref<8x1xi32, #tpu.memory_space<vmem_shared>>
      %dma_start3A_481 = arith.constant 0 : i32
      %dma_start3A_482 = tpu.memref_slice %arg7[%dma_start3A_481, %add3A_476] : memref<8x512xi32, #tpu.memory_space<vmem>> -> memref<8x1xi32, #tpu.memory_space<vmem>>
      %dma_start3A_483 = arith.constant 0 : i32
      %dma_start3A_484 = tpu.memref_slice %arg5[%dma_start3A_483, %squeeze3A_472] : memref<8x100000xi32, #tpu.memory_space<vmem_shared>> -> memref<8x1xi32, #tpu.memory_space<vmem_shared>>
      tpu.enqueue_dma source(%dma_start3A_484 : memref<8x1xi32, #tpu.memory_space<vmem_shared>>) target(%dma_start3A_482 : memref<8x1xi32, #tpu.memory_space<vmem>>) target_semaphore(%arg9 : memref<!tpu.dma_semaphore, #tpu.memory_space<semaphore_mem>>)
      %slice3A_485 = vector.extract_strided_slice %get3A_430 {offsets = [4], sizes = [1], strides = [1]} : vector<16xi32> to vector<1xi32>
      %squeeze3A_486 = vector.extract %slice3A_485[0] : i32 from vector<1xi32>
      %mul3A_487 = arith.constant 16 : i32
      %mul3A_488 = arith.muli %scan3A_426, %mul3A_487 : i32
      %add3A_489 = arith.constant 4 : i32
      %add3A_490 = arith.addi %mul3A_488, %add3A_489 : i32
      %dma_start3A_491 = arith.constant 0 : i32
      %dma_start3A_492 = tpu.memref_slice %arg7[%dma_start3A_491, %add3A_490] : memref<8x512xi32, #tpu.memory_space<vmem>> -> memref<8x1xi32, #tpu.memory_space<vmem>>
      %dma_start3A_493 = arith.constant 0 : i32
      %dma_start3A_494 = tpu.memref_slice %arg5[%dma_start3A_493, %squeeze3A_486] : memref<8x100000xi32, #tpu.memory_space<vmem_shared>> -> memref<8x1xi32, #tpu.memory_space<vmem_shared>>
      %dma_start3A_495 = arith.constant 0 : i32
      %dma_start3A_496 = tpu.memref_slice %arg7[%dma_start3A_495, %add3A_490] : memref<8x512xi32, #tpu.memory_space<vmem>> -> memref<8x1xi32, #tpu.memory_space<vmem>>
      %dma_start3A_497 = arith.constant 0 : i32
      %dma_start3A_498 = tpu.memref_slice %arg5[%dma_start3A_497, %squeeze3A_486] : memref<8x100000xi32, #tpu.memory_space<vmem_shared>> -> memref<8x1xi32, #tpu.memory_space<vmem_shared>>
      tpu.enqueue_dma source(%dma_start3A_498 : memref<8x1xi32, #tpu.memory_space<vmem_shared>>) target(%dma_start3A_496 : memref<8x1xi32, #tpu.memory_space<vmem>>) target_semaphore(%arg9 : memref<!tpu.dma_semaphore, #tpu.memory_space<semaphore_mem>>)
      %slice3A_499 = vector.extract_strided_slice %get3A_430 {offsets = [5], sizes = [1], strides = [1]} : vector<16xi32> to vector<1xi32>
      %squeeze3A_500 = vector.extract %slice3A_499[0] : i32 from vector<1xi32>
      %mul3A_501 = arith.constant 16 : i32
      %mul3A_502 = arith.muli %scan3A_426, %mul3A_501 : i32
      %add3A_503 = arith.constant 5 : i32
      %add3A_504 = arith.addi %mul3A_502, %add3A_503 : i32
      %dma_start3A_505 = arith.constant 0 : i32
      %dma_start3A_506 = tpu.memref_slice %arg7[%dma_start3A_505, %add3A_504] : memref<8x512xi32, #tpu.memory_space<vmem>> -> memref<8x1xi32, #tpu.memory_space<vmem>>
      %dma_start3A_507 = arith.constant 0 : i32
      %dma_start3A_508 = tpu.memref_slice %arg5[%dma_start3A_507, %squeeze3A_500] : memref<8x100000xi32, #tpu.memory_space<vmem_shared>> -> memref<8x1xi32, #tpu.memory_space<vmem_shared>>
      %dma_start3A_509 = arith.constant 0 : i32
      %dma_start3A_510 = tpu.memref_slice %arg7[%dma_start3A_509, %add3A_504] : memref<8x512xi32, #tpu.memory_space<vmem>> -> memref<8x1xi32, #tpu.memory_space<vmem>>
      %dma_start3A_511 = arith.constant 0 : i32
      %dma_start3A_512 = tpu.memref_slice %arg5[%dma_start3A_511, %squeeze3A_500] : memref<8x100000xi32, #tpu.memory_space<vmem_shared>> -> memref<8x1xi32, #tpu.memory_space<vmem_shared>>
      tpu.enqueue_dma source(%dma_start3A_512 : memref<8x1xi32, #tpu.memory_space<vmem_shared>>) target(%dma_start3A_510 : memref<8x1xi32, #tpu.memory_space<vmem>>) target_semaphore(%arg9 : memref<!tpu.dma_semaphore, #tpu.memory_space<semaphore_mem>>)
      %slice3A_513 = vector.extract_strided_slice %get3A_430 {offsets = [6], sizes = [1], strides = [1]} : vector<16xi32> to vector<1xi32>
      %squeeze3A_514 = vector.extract %slice3A_513[0] : i32 from vector<1xi32>
      %mul3A_515 = arith.constant 16 : i32
      %mul3A_516 = arith.muli %scan3A_426, %mul3A_515 : i32
      %add3A_517 = arith.constant 6 : i32
      %add3A_518 = arith.addi %mul3A_516, %add3A_517 : i32
      %dma_start3A_519 = arith.constant 0 : i32
      %dma_start3A_520 = tpu.memref_slice %arg7[%dma_start3A_519, %add3A_518] : memref<8x512xi32, #tpu.memory_space<vmem>> -> memref<8x1xi32, #tpu.memory_space<vmem>>
      %dma_start3A_521 = arith.constant 0 : i32
      %dma_start3A_522 = tpu.memref_slice %arg5[%dma_start3A_521, %squeeze3A_514] : memref<8x100000xi32, #tpu.memory_space<vmem_shared>> -> memref<8x1xi32, #tpu.memory_space<vmem_shared>>
      %dma_start3A_523 = arith.constant 0 : i32
      %dma_start3A_524 = tpu.memref_slice %arg7[%dma_start3A_523, %add3A_518] : memref<8x512xi32, #tpu.memory_space<vmem>> -> memref<8x1xi32, #tpu.memory_space<vmem>>
      %dma_start3A_525 = arith.constant 0 : i32
      %dma_start3A_526 = tpu.memref_slice %arg5[%dma_start3A_525, %squeeze3A_514] : memref<8x100000xi32, #tpu.memory_space<vmem_shared>> -> memref<8x1xi32, #tpu.memory_space<vmem_shared>>
      tpu.enqueue_dma source(%dma_start3A_526 : memref<8x1xi32, #tpu.memory_space<vmem_shared>>) target(%dma_start3A_524 : memref<8x1xi32, #tpu.memory_space<vmem>>) target_semaphore(%arg9 : memref<!tpu.dma_semaphore, #tpu.memory_space<semaphore_mem>>)
      %slice3A_527 = vector.extract_strided_slice %get3A_430 {offsets = [7], sizes = [1], strides = [1]} : vector<16xi32> to vector<1xi32>
      %squeeze3A_528 = vector.extract %slice3A_527[0] : i32 from vector<1xi32>
      %mul3A_529 = arith.constant 16 : i32
      %mul3A_530 = arith.muli %scan3A_426, %mul3A_529 : i32
      %add3A_531 = arith.constant 7 : i32
      %add3A_532 = arith.addi %mul3A_530, %add3A_531 : i32
      %dma_start3A_533 = arith.constant 0 : i32
      %dma_start3A_534 = tpu.memref_slice %arg7[%dma_start3A_533, %add3A_532] : memref<8x512xi32, #tpu.memory_space<vmem>> -> memref<8x1xi32, #tpu.memory_space<vmem>>
      %dma_start3A_535 = arith.constant 0 : i32
      %dma_start3A_536 = tpu.memref_slice %arg5[%dma_start3A_535, %squeeze3A_528] : memref<8x100000xi32, #tpu.memory_space<vmem_shared>> -> memref<8x1xi32, #tpu.memory_space<vmem_shared>>
      %dma_start3A_537 = arith.constant 0 : i32
      %dma_start3A_538 = tpu.memref_slice %arg7[%dma_start3A_537, %add3A_532] : memref<8x512xi32, #tpu.memory_space<vmem>> -> memref<8x1xi32, #tpu.memory_space<vmem>>
      %dma_start3A_539 = arith.constant 0 : i32
      %dma_start3A_540 = tpu.memref_slice %arg5[%dma_start3A_539, %squeeze3A_528] : memref<8x100000xi32, #tpu.memory_space<vmem_shared>> -> memref<8x1xi32, #tpu.memory_space<vmem_shared>>
      tpu.enqueue_dma source(%dma_start3A_540 : memref<8x1xi32, #tpu.memory_space<vmem_shared>>) target(%dma_start3A_538 : memref<8x1xi32, #tpu.memory_space<vmem>>) target_semaphore(%arg9 : memref<!tpu.dma_semaphore, #tpu.memory_space<semaphore_mem>>)
      %slice3A_541 = vector.extract_strided_slice %get3A_430 {offsets = [8], sizes = [1], strides = [1]} : vector<16xi32> to vector<1xi32>
      %squeeze3A_542 = vector.extract %slice3A_541[0] : i32 from vector<1xi32>
      %mul3A_543 = arith.constant 16 : i32
      %mul3A_544 = arith.muli %scan3A_426, %mul3A_543 : i32
      %add3A_545 = arith.constant 8 : i32
      %add3A_546 = arith.addi %mul3A_544, %add3A_545 : i32
      %dma_start3A_547 = arith.constant 0 : i32
      %dma_start3A_548 = tpu.memref_slice %arg7[%dma_start3A_547, %add3A_546] : memref<8x512xi32, #tpu.memory_space<vmem>> -> memref<8x1xi32, #tpu.memory_space<vmem>>
      %dma_start3A_549 = arith.constant 0 : i32
      %dma_start3A_550 = tpu.memref_slice %arg5[%dma_start3A_549, %squeeze3A_542] : memref<8x100000xi32, #tpu.memory_space<vmem_shared>> -> memref<8x1xi32, #tpu.memory_space<vmem_shared>>
      %dma_start3A_551 = arith.constant 0 : i32
      %dma_start3A_552 = tpu.memref_slice %arg7[%dma_start3A_551, %add3A_546] : memref<8x512xi32, #tpu.memory_space<vmem>> -> memref<8x1xi32, #tpu.memory_space<vmem>>
      %dma_start3A_553 = arith.constant 0 : i32
      %dma_start3A_554 = tpu.memref_slice %arg5[%dma_start3A_553, %squeeze3A_542] : memref<8x100000xi32, #tpu.memory_space<vmem_shared>> -> memref<8x1xi32, #tpu.memory_space<vmem_shared>>
      tpu.enqueue_dma source(%dma_start3A_554 : memref<8x1xi32, #tpu.memory_space<vmem_shared>>) target(%dma_start3A_552 : memref<8x1xi32, #tpu.memory_space<vmem>>) target_semaphore(%arg9 : memref<!tpu.dma_semaphore, #tpu.memory_space<semaphore_mem>>)
      %slice3A_555 = vector.extract_strided_slice %get3A_430 {offsets = [9], sizes = [1], strides = [1]} : vector<16xi32> to vector<1xi32>
      %squeeze3A_556 = vector.extract %slice3A_555[0] : i32 from vector<1xi32>
      %mul3A_557 = arith.constant 16 : i32
      %mul3A_558 = arith.muli %scan3A_426, %mul3A_557 : i32
      %add3A_559 = arith.constant 9 : i32
      %add3A_560 = arith.addi %mul3A_558, %add3A_559 : i32
      %dma_start3A_561 = arith.constant 0 : i32
      %dma_start3A_562 = tpu.memref_slice %arg7[%dma_start3A_561, %add3A_560] : memref<8x512xi32, #tpu.memory_space<vmem>> -> memref<8x1xi32, #tpu.memory_space<vmem>>
      %dma_start3A_563 = arith.constant 0 : i32
      %dma_start3A_564 = tpu.memref_slice %arg5[%dma_start3A_563, %squeeze3A_556] : memref<8x100000xi32, #tpu.memory_space<vmem_shared>> -> memref<8x1xi32, #tpu.memory_space<vmem_shared>>
      %dma_start3A_565 = arith.constant 0 : i32
      %dma_start3A_566 = tpu.memref_slice %arg7[%dma_start3A_565, %add3A_560] : memref<8x512xi32, #tpu.memory_space<vmem>> -> memref<8x1xi32, #tpu.memory_space<vmem>>
      %dma_start3A_567 = arith.constant 0 : i32
      %dma_start3A_568 = tpu.memref_slice %arg5[%dma_start3A_567, %squeeze3A_556] : memref<8x100000xi32, #tpu.memory_space<vmem_shared>> -> memref<8x1xi32, #tpu.memory_space<vmem_shared>>
      tpu.enqueue_dma source(%dma_start3A_568 : memref<8x1xi32, #tpu.memory_space<vmem_shared>>) target(%dma_start3A_566 : memref<8x1xi32, #tpu.memory_space<vmem>>) target_semaphore(%arg9 : memref<!tpu.dma_semaphore, #tpu.memory_space<semaphore_mem>>)
      %slice3A_569 = vector.extract_strided_slice %get3A_430 {offsets = [10], sizes = [1], strides = [1]} : vector<16xi32> to vector<1xi32>
      %squeeze3A_570 = vector.extract %slice3A_569[0] : i32 from vector<1xi32>
      %mul3A_571 = arith.constant 16 : i32
      %mul3A_572 = arith.muli %scan3A_426, %mul3A_571 : i32
      %add3A_573 = arith.constant 10 : i32
      %add3A_574 = arith.addi %mul3A_572, %add3A_573 : i32
      %dma_start3A_575 = arith.constant 0 : i32
      %dma_start3A_576 = tpu.memref_slice %arg7[%dma_start3A_575, %add3A_574] : memref<8x512xi32, #tpu.memory_space<vmem>> -> memref<8x1xi32, #tpu.memory_space<vmem>>
      %dma_start3A_577 = arith.constant 0 : i32
      %dma_start3A_578 = tpu.memref_slice %arg5[%dma_start3A_577, %squeeze3A_570] : memref<8x100000xi32, #tpu.memory_space<vmem_shared>> -> memref<8x1xi32, #tpu.memory_space<vmem_shared>>
      %dma_start3A_579 = arith.constant 0 : i32
      %dma_start3A_580 = tpu.memref_slice %arg7[%dma_start3A_579, %add3A_574] : memref<8x512xi32, #tpu.memory_space<vmem>> -> memref<8x1xi32, #tpu.memory_space<vmem>>
      %dma_start3A_581 = arith.constant 0 : i32
      %dma_start3A_582 = tpu.memref_slice %arg5[%dma_start3A_581, %squeeze3A_570] : memref<8x100000xi32, #tpu.memory_space<vmem_shared>> -> memref<8x1xi32, #tpu.memory_space<vmem_shared>>
      tpu.enqueue_dma source(%dma_start3A_582 : memref<8x1xi32, #tpu.memory_space<vmem_shared>>) target(%dma_start3A_580 : memref<8x1xi32, #tpu.memory_space<vmem>>) target_semaphore(%arg9 : memref<!tpu.dma_semaphore, #tpu.memory_space<semaphore_mem>>)
      %slice3A_583 = vector.extract_strided_slice %get3A_430 {offsets = [11], sizes = [1], strides = [1]} : vector<16xi32> to vector<1xi32>
      %squeeze3A_584 = vector.extract %slice3A_583[0] : i32 from vector<1xi32>
      %mul3A_585 = arith.constant 16 : i32
      %mul3A_586 = arith.muli %scan3A_426, %mul3A_585 : i32
      %add3A_587 = arith.constant 11 : i32
      %add3A_588 = arith.addi %mul3A_586, %add3A_587 : i32
      %dma_start3A_589 = arith.constant 0 : i32
      %dma_start3A_590 = tpu.memref_slice %arg7[%dma_start3A_589, %add3A_588] : memref<8x512xi32, #tpu.memory_space<vmem>> -> memref<8x1xi32, #tpu.memory_space<vmem>>
      %dma_start3A_591 = arith.constant 0 : i32
      %dma_start3A_592 = tpu.memref_slice %arg5[%dma_start3A_591, %squeeze3A_584] : memref<8x100000xi32, #tpu.memory_space<vmem_shared>> -> memref<8x1xi32, #tpu.memory_space<vmem_shared>>
      %dma_start3A_593 = arith.constant 0 : i32
      %dma_start3A_594 = tpu.memref_slice %arg7[%dma_start3A_593, %add3A_588] : memref<8x512xi32, #tpu.memory_space<vmem>> -> memref<8x1xi32, #tpu.memory_space<vmem>>
      %dma_start3A_595 = arith.constant 0 : i32
      %dma_start3A_596 = tpu.memref_slice %arg5[%dma_start3A_595, %squeeze3A_584] : memref<8x100000xi32, #tpu.memory_space<vmem_shared>> -> memref<8x1xi32, #tpu.memory_space<vmem_shared>>
      tpu.enqueue_dma source(%dma_start3A_596 : memref<8x1xi32, #tpu.memory_space<vmem_shared>>) target(%dma_start3A_594 : memref<8x1xi32, #tpu.memory_space<vmem>>) target_semaphore(%arg9 : memref<!tpu.dma_semaphore, #tpu.memory_space<semaphore_mem>>)
      %slice3A_597 = vector.extract_strided_slice %get3A_430 {offsets = [12], sizes = [1], strides = [1]} : vector<16xi32> to vector<1xi32>
      %squeeze3A_598 = vector.extract %slice3A_597[0] : i32 from vector<1xi32>
      %mul3A_599 = arith.constant 16 : i32
      %mul3A_600 = arith.muli %scan3A_426, %mul3A_599 : i32
      %add3A_601 = arith.constant 12 : i32
      %add3A_602 = arith.addi %mul3A_600, %add3A_601 : i32
      %dma_start3A_603 = arith.constant 0 : i32
      %dma_start3A_604 = tpu.memref_slice %arg7[%dma_start3A_603, %add3A_602] : memref<8x512xi32, #tpu.memory_space<vmem>> -> memref<8x1xi32, #tpu.memory_space<vmem>>
      %dma_start3A_605 = arith.constant 0 : i32
      %dma_start3A_606 = tpu.memref_slice %arg5[%dma_start3A_605, %squeeze3A_598] : memref<8x100000xi32, #tpu.memory_space<vmem_shared>> -> memref<8x1xi32, #tpu.memory_space<vmem_shared>>
      %dma_start3A_607 = arith.constant 0 : i32
      %dma_start3A_608 = tpu.memref_slice %arg7[%dma_start3A_607, %add3A_602] : memref<8x512xi32, #tpu.memory_space<vmem>> -> memref<8x1xi32, #tpu.memory_space<vmem>>
      %dma_start3A_609 = arith.constant 0 : i32
      %dma_start3A_610 = tpu.memref_slice %arg5[%dma_start3A_609, %squeeze3A_598] : memref<8x100000xi32, #tpu.memory_space<vmem_shared>> -> memref<8x1xi32, #tpu.memory_space<vmem_shared>>
      tpu.enqueue_dma source(%dma_start3A_610 : memref<8x1xi32, #tpu.memory_space<vmem_shared>>) target(%dma_start3A_608 : memref<8x1xi32, #tpu.memory_space<vmem>>) target_semaphore(%arg9 : memref<!tpu.dma_semaphore, #tpu.memory_space<semaphore_mem>>)
      %slice3A_611 = vector.extract_strided_slice %get3A_430 {offsets = [13], sizes = [1], strides = [1]} : vector<16xi32> to vector<1xi32>
      %squeeze3A_612 = vector.extract %slice3A_611[0] : i32 from vector<1xi32>
      %mul3A_613 = arith.constant 16 : i32
      %mul3A_614 = arith.muli %scan3A_426, %mul3A_613 : i32
      %add3A_615 = arith.constant 13 : i32
      %add3A_616 = arith.addi %mul3A_614, %add3A_615 : i32
      %dma_start3A_617 = arith.constant 0 : i32
      %dma_start3A_618 = tpu.memref_slice %arg7[%dma_start3A_617, %add3A_616] : memref<8x512xi32, #tpu.memory_space<vmem>> -> memref<8x1xi32, #tpu.memory_space<vmem>>
      %dma_start3A_619 = arith.constant 0 : i32
      %dma_start3A_620 = tpu.memref_slice %arg5[%dma_start3A_619, %squeeze3A_612] : memref<8x100000xi32, #tpu.memory_space<vmem_shared>> -> memref<8x1xi32, #tpu.memory_space<vmem_shared>>
      %dma_start3A_621 = arith.constant 0 : i32
      %dma_start3A_622 = tpu.memref_slice %arg7[%dma_start3A_621, %add3A_616] : memref<8x512xi32, #tpu.memory_space<vmem>> -> memref<8x1xi32, #tpu.memory_space<vmem>>
      %dma_start3A_623 = arith.constant 0 : i32
      %dma_start3A_624 = tpu.memref_slice %arg5[%dma_start3A_623, %squeeze3A_612] : memref<8x100000xi32, #tpu.memory_space<vmem_shared>> -> memref<8x1xi32, #tpu.memory_space<vmem_shared>>
      tpu.enqueue_dma source(%dma_start3A_624 : memref<8x1xi32, #tpu.memory_space<vmem_shared>>) target(%dma_start3A_622 : memref<8x1xi32, #tpu.memory_space<vmem>>) target_semaphore(%arg9 : memref<!tpu.dma_semaphore, #tpu.memory_space<semaphore_mem>>)
      %slice3A_625 = vector.extract_strided_slice %get3A_430 {offsets = [14], sizes = [1], strides = [1]} : vector<16xi32> to vector<1xi32>
      %squeeze3A_626 = vector.extract %slice3A_625[0] : i32 from vector<1xi32>
      %mul3A_627 = arith.constant 16 : i32
      %mul3A_628 = arith.muli %scan3A_426, %mul3A_627 : i32
      %add3A_629 = arith.constant 14 : i32
      %add3A_630 = arith.addi %mul3A_628, %add3A_629 : i32
      %dma_start3A_631 = arith.constant 0 : i32
      %dma_start3A_632 = tpu.memref_slice %arg7[%dma_start3A_631, %add3A_630] : memref<8x512xi32, #tpu.memory_space<vmem>> -> memref<8x1xi32, #tpu.memory_space<vmem>>
      %dma_start3A_633 = arith.constant 0 : i32
      %dma_start3A_634 = tpu.memref_slice %arg5[%dma_start3A_633, %squeeze3A_626] : memref<8x100000xi32, #tpu.memory_space<vmem_shared>> -> memref<8x1xi32, #tpu.memory_space<vmem_shared>>
      %dma_start3A_635 = arith.constant 0 : i32
      %dma_start3A_636 = tpu.memref_slice %arg7[%dma_start3A_635, %add3A_630] : memref<8x512xi32, #tpu.memory_space<vmem>> -> memref<8x1xi32, #tpu.memory_space<vmem>>
      %dma_start3A_637 = arith.constant 0 : i32
      %dma_start3A_638 = tpu.memref_slice %arg5[%dma_start3A_637, %squeeze3A_626] : memref<8x100000xi32, #tpu.memory_space<vmem_shared>> -> memref<8x1xi32, #tpu.memory_space<vmem_shared>>
      tpu.enqueue_dma source(%dma_start3A_638 : memref<8x1xi32, #tpu.memory_space<vmem_shared>>) target(%dma_start3A_636 : memref<8x1xi32, #tpu.memory_space<vmem>>) target_semaphore(%arg9 : memref<!tpu.dma_semaphore, #tpu.memory_space<semaphore_mem>>)
      %slice3A_639 = vector.extract_strided_slice %get3A_430 {offsets = [15], sizes = [1], strides = [1]} : vector<16xi32> to vector<1xi32>
      %squeeze3A_640 = vector.extract %slice3A_639[0] : i32 from vector<1xi32>
      %mul3A_641 = arith.constant 16 : i32
      %mul3A_642 = arith.muli %scan3A_426, %mul3A_641 : i32
      %add3A_643 = arith.constant 15 : i32
      %add3A_644 = arith.addi %mul3A_642, %add3A_643 : i32
      %dma_start3A_645 = arith.constant 0 : i32
      %dma_start3A_646 = tpu.memref_slice %arg7[%dma_start3A_645, %add3A_644] : memref<8x512xi32, #tpu.memory_space<vmem>> -> memref<8x1xi32, #tpu.memory_space<vmem>>
      %dma_start3A_647 = arith.constant 0 : i32
      %dma_start3A_648 = tpu.memref_slice %arg5[%dma_start3A_647, %squeeze3A_640] : memref<8x100000xi32, #tpu.memory_space<vmem_shared>> -> memref<8x1xi32, #tpu.memory_space<vmem_shared>>
      %dma_start3A_649 = arith.constant 0 : i32
      %dma_start3A_650 = tpu.memref_slice %arg7[%dma_start3A_649, %add3A_644] : memref<8x512xi32, #tpu.memory_space<vmem>> -> memref<8x1xi32, #tpu.memory_space<vmem>>
      %dma_start3A_651 = arith.constant 0 : i32
      %dma_start3A_652 = tpu.memref_slice %arg5[%dma_start3A_651, %squeeze3A_640] : memref<8x100000xi32, #tpu.memory_space<vmem_shared>> -> memref<8x1xi32, #tpu.memory_space<vmem_shared>>
      tpu.enqueue_dma source(%dma_start3A_652 : memref<8x1xi32, #tpu.memory_space<vmem_shared>>) target(%dma_start3A_650 : memref<8x1xi32, #tpu.memory_space<vmem>>) target_semaphore(%arg9 : memref<!tpu.dma_semaphore, #tpu.memory_space<semaphore_mem>>)
      %gt3A = arith.constant 1 : i32
      %gt3A_653 = arith.cmpi sgt, %scan3A_426, %gt3A : i32
      %convert_element_type3A = arith.extui %gt3A_653 : i1 to i32
      %cond3A = arith.constant 0 : i32
      %cond3A_654 = arith.cmpi ne, %convert_element_type3A, %cond3A : i32
      scf.if %cond3A_654 {
        %sub3A_655 = arith.constant 2 : i32
        %sub3A_656 = arith.subi %scan3A_426, %sub3A_655 : i32
        %mul3A_657 = arith.constant 16 : i32
        %mul3A_658 = arith.muli %sub3A_656, %mul3A_657 : i32
        %add3A_659 = arith.constant 0 : i32
        %add3A_660 = arith.addi %mul3A_658, %add3A_659 : i32
        %dma_wait3A_661 = arith.constant 0 : i32
        %dma_wait3A_662 = tpu.memref_slice %arg7[%dma_wait3A_661, %add3A_660] : memref<8x512xi32, #tpu.memory_space<vmem>> -> memref<8x1xi32, #tpu.memory_space<vmem>>
        %dma_wait3A_663 = arith.constant 0 : i32
        %dma_wait3A_664 = arith.constant 0 : i32
        %dma_wait3A_665 = tpu.memref_slice %arg2[%dma_wait3A_663, %dma_wait3A_664] : memref<8x100000xi32, #tpu.memory_space<hbm>> -> memref<8x1xi32, #tpu.memory_space<hbm>>
        %dma_wait3A_666 = arith.constant 0 : i32
        %dma_wait3A_667 = tpu.memref_slice %arg7[%dma_wait3A_666, %add3A_660] : memref<8x512xi32, #tpu.memory_space<vmem>> -> memref<8x1xi32, #tpu.memory_space<vmem>>
        %dma_wait3A_668 = arith.constant 0 : i32
        %dma_wait3A_669 = arith.constant 0 : i32
        %dma_wait3A_670 = tpu.memref_slice %arg2[%dma_wait3A_668, %dma_wait3A_669] : memref<8x100000xi32, #tpu.memory_space<hbm>> -> memref<8x1xi32, #tpu.memory_space<hbm>>
        tpu.wait_dma2 semaphore(%arg9 : memref<!tpu.dma_semaphore, #tpu.memory_space<semaphore_mem>>) src(%dma_wait3A_670 : memref<8x1xi32, #tpu.memory_space<hbm>>) dst(%dma_wait3A_667 : memref<8x1xi32, #tpu.memory_space<vmem>>)
        %mul3A_671 = arith.constant 16 : i32
        %mul3A_672 = arith.muli %sub3A_656, %mul3A_671 : i32
        %add3A_673 = arith.constant 1 : i32
        %add3A_674 = arith.addi %mul3A_672, %add3A_673 : i32
        %dma_wait3A_675 = arith.constant 0 : i32
        %dma_wait3A_676 = tpu.memref_slice %arg7[%dma_wait3A_675, %add3A_674] : memref<8x512xi32, #tpu.memory_space<vmem>> -> memref<8x1xi32, #tpu.memory_space<vmem>>
        %dma_wait3A_677 = arith.constant 0 : i32
        %dma_wait3A_678 = arith.constant 0 : i32
        %dma_wait3A_679 = tpu.memref_slice %arg2[%dma_wait3A_677, %dma_wait3A_678] : memref<8x100000xi32, #tpu.memory_space<hbm>> -> memref<8x1xi32, #tpu.memory_space<hbm>>
        %dma_wait3A_680 = arith.constant 0 : i32
        %dma_wait3A_681 = tpu.memref_slice %arg7[%dma_wait3A_680, %add3A_674] : memref<8x512xi32, #tpu.memory_space<vmem>> -> memref<8x1xi32, #tpu.memory_space<vmem>>
        %dma_wait3A_682 = arith.constant 0 : i32
        %dma_wait3A_683 = arith.constant 0 : i32
        %dma_wait3A_684 = tpu.memref_slice %arg2[%dma_wait3A_682, %dma_wait3A_683] : memref<8x100000xi32, #tpu.memory_space<hbm>> -> memref<8x1xi32, #tpu.memory_space<hbm>>
        tpu.wait_dma2 semaphore(%arg9 : memref<!tpu.dma_semaphore, #tpu.memory_space<semaphore_mem>>) src(%dma_wait3A_684 : memref<8x1xi32, #tpu.memory_space<hbm>>) dst(%dma_wait3A_681 : memref<8x1xi32, #tpu.memory_space<vmem>>)
        %mul3A_685 = arith.constant 16 : i32
        %mul3A_686 = arith.muli %sub3A_656, %mul3A_685 : i32
        %add3A_687 = arith.constant 2 : i32
        %add3A_688 = arith.addi %mul3A_686, %add3A_687 : i32
        %dma_wait3A_689 = arith.constant 0 : i32
        %dma_wait3A_690 = tpu.memref_slice %arg7[%dma_wait3A_689, %add3A_688] : memref<8x512xi32, #tpu.memory_space<vmem>> -> memref<8x1xi32, #tpu.memory_space<vmem>>
        %dma_wait3A_691 = arith.constant 0 : i32
        %dma_wait3A_692 = arith.constant 0 : i32
        %dma_wait3A_693 = tpu.memref_slice %arg2[%dma_wait3A_691, %dma_wait3A_692] : memref<8x100000xi32, #tpu.memory_space<hbm>> -> memref<8x1xi32, #tpu.memory_space<hbm>>
        %dma_wait3A_694 = arith.constant 0 : i32
        %dma_wait3A_695 = tpu.memref_slice %arg7[%dma_wait3A_694, %add3A_688] : memref<8x512xi32, #tpu.memory_space<vmem>> -> memref<8x1xi32, #tpu.memory_space<vmem>>
        %dma_wait3A_696 = arith.constant 0 : i32
        %dma_wait3A_697 = arith.constant 0 : i32
        %dma_wait3A_698 = tpu.memref_slice %arg2[%dma_wait3A_696, %dma_wait3A_697] : memref<8x100000xi32, #tpu.memory_space<hbm>> -> memref<8x1xi32, #tpu.memory_space<hbm>>
        tpu.wait_dma2 semaphore(%arg9 : memref<!tpu.dma_semaphore, #tpu.memory_space<semaphore_mem>>) src(%dma_wait3A_698 : memref<8x1xi32, #tpu.memory_space<hbm>>) dst(%dma_wait3A_695 : memref<8x1xi32, #tpu.memory_space<vmem>>)
        %mul3A_699 = arith.constant 16 : i32
        %mul3A_700 = arith.muli %sub3A_656, %mul3A_699 : i32
        %add3A_701 = arith.constant 3 : i32
        %add3A_702 = arith.addi %mul3A_700, %add3A_701 : i32
        %dma_wait3A_703 = arith.constant 0 : i32
        %dma_wait3A_704 = tpu.memref_slice %arg7[%dma_wait3A_703, %add3A_702] : memref<8x512xi32, #tpu.memory_space<vmem>> -> memref<8x1xi32, #tpu.memory_space<vmem>>
        %dma_wait3A_705 = arith.constant 0 : i32
        %dma_wait3A_706 = arith.constant 0 : i32
        %dma_wait3A_707 = tpu.memref_slice %arg2[%dma_wait3A_705, %dma_wait3A_706] : memref<8x100000xi32, #tpu.memory_space<hbm>> -> memref<8x1xi32, #tpu.memory_space<hbm>>
        %dma_wait3A_708 = arith.constant 0 : i32
        %dma_wait3A_709 = tpu.memref_slice %arg7[%dma_wait3A_708, %add3A_702] : memref<8x512xi32, #tpu.memory_space<vmem>> -> memref<8x1xi32, #tpu.memory_space<vmem>>
        %dma_wait3A_710 = arith.constant 0 : i32
        %dma_wait3A_711 = arith.constant 0 : i32
        %dma_wait3A_712 = tpu.memref_slice %arg2[%dma_wait3A_710, %dma_wait3A_711] : memref<8x100000xi32, #tpu.memory_space<hbm>> -> memref<8x1xi32, #tpu.memory_space<hbm>>
        tpu.wait_dma2 semaphore(%arg9 : memref<!tpu.dma_semaphore, #tpu.memory_space<semaphore_mem>>) src(%dma_wait3A_712 : memref<8x1xi32, #tpu.memory_space<hbm>>) dst(%dma_wait3A_709 : memref<8x1xi32, #tpu.memory_space<vmem>>)
        %mul3A_713 = arith.constant 16 : i32
        %mul3A_714 = arith.muli %sub3A_656, %mul3A_713 : i32
        %add3A_715 = arith.constant 4 : i32
        %add3A_716 = arith.addi %mul3A_714, %add3A_715 : i32
        %dma_wait3A_717 = arith.constant 0 : i32
        %dma_wait3A_718 = tpu.memref_slice %arg7[%dma_wait3A_717, %add3A_716] : memref<8x512xi32, #tpu.memory_space<vmem>> -> memref<8x1xi32, #tpu.memory_space<vmem>>
        %dma_wait3A_719 = arith.constant 0 : i32
        %dma_wait3A_720 = arith.constant 0 : i32
        %dma_wait3A_721 = tpu.memref_slice %arg2[%dma_wait3A_719, %dma_wait3A_720] : memref<8x100000xi32, #tpu.memory_space<hbm>> -> memref<8x1xi32, #tpu.memory_space<hbm>>
        %dma_wait3A_722 = arith.constant 0 : i32
        %dma_wait3A_723 = tpu.memref_slice %arg7[%dma_wait3A_722, %add3A_716] : memref<8x512xi32, #tpu.memory_space<vmem>> -> memref<8x1xi32, #tpu.memory_space<vmem>>
        %dma_wait3A_724 = arith.constant 0 : i32
        %dma_wait3A_725 = arith.constant 0 : i32
        %dma_wait3A_726 = tpu.memref_slice %arg2[%dma_wait3A_724, %dma_wait3A_725] : memref<8x100000xi32, #tpu.memory_space<hbm>> -> memref<8x1xi32, #tpu.memory_space<hbm>>
        tpu.wait_dma2 semaphore(%arg9 : memref<!tpu.dma_semaphore, #tpu.memory_space<semaphore_mem>>) src(%dma_wait3A_726 : memref<8x1xi32, #tpu.memory_space<hbm>>) dst(%dma_wait3A_723 : memref<8x1xi32, #tpu.memory_space<vmem>>)
        %mul3A_727 = arith.constant 16 : i32
        %mul3A_728 = arith.muli %sub3A_656, %mul3A_727 : i32
        %add3A_729 = arith.constant 5 : i32
        %add3A_730 = arith.addi %mul3A_728, %add3A_729 : i32
        %dma_wait3A_731 = arith.constant 0 : i32
        %dma_wait3A_732 = tpu.memref_slice %arg7[%dma_wait3A_731, %add3A_730] : memref<8x512xi32, #tpu.memory_space<vmem>> -> memref<8x1xi32, #tpu.memory_space<vmem>>
        %dma_wait3A_733 = arith.constant 0 : i32
        %dma_wait3A_734 = arith.constant 0 : i32
        %dma_wait3A_735 = tpu.memref_slice %arg2[%dma_wait3A_733, %dma_wait3A_734] : memref<8x100000xi32, #tpu.memory_space<hbm>> -> memref<8x1xi32, #tpu.memory_space<hbm>>
        %dma_wait3A_736 = arith.constant 0 : i32
        %dma_wait3A_737 = tpu.memref_slice %arg7[%dma_wait3A_736, %add3A_730] : memref<8x512xi32, #tpu.memory_space<vmem>> -> memref<8x1xi32, #tpu.memory_space<vmem>>
        %dma_wait3A_738 = arith.constant 0 : i32
        %dma_wait3A_739 = arith.constant 0 : i32
        %dma_wait3A_740 = tpu.memref_slice %arg2[%dma_wait3A_738, %dma_wait3A_739] : memref<8x100000xi32, #tpu.memory_space<hbm>> -> memref<8x1xi32, #tpu.memory_space<hbm>>
        tpu.wait_dma2 semaphore(%arg9 : memref<!tpu.dma_semaphore, #tpu.memory_space<semaphore_mem>>) src(%dma_wait3A_740 : memref<8x1xi32, #tpu.memory_space<hbm>>) dst(%dma_wait3A_737 : memref<8x1xi32, #tpu.memory_space<vmem>>)
        %mul3A_741 = arith.constant 16 : i32
        %mul3A_742 = arith.muli %sub3A_656, %mul3A_741 : i32
        %add3A_743 = arith.constant 6 : i32
        %add3A_744 = arith.addi %mul3A_742, %add3A_743 : i32
        %dma_wait3A_745 = arith.constant 0 : i32
        %dma_wait3A_746 = tpu.memref_slice %arg7[%dma_wait3A_745, %add3A_744] : memref<8x512xi32, #tpu.memory_space<vmem>> -> memref<8x1xi32, #tpu.memory_space<vmem>>
        %dma_wait3A_747 = arith.constant 0 : i32
        %dma_wait3A_748 = arith.constant 0 : i32
        %dma_wait3A_749 = tpu.memref_slice %arg2[%dma_wait3A_747, %dma_wait3A_748] : memref<8x100000xi32, #tpu.memory_space<hbm>> -> memref<8x1xi32, #tpu.memory_space<hbm>>
        %dma_wait3A_750 = arith.constant 0 : i32
        %dma_wait3A_751 = tpu.memref_slice %arg7[%dma_wait3A_750, %add3A_744] : memref<8x512xi32, #tpu.memory_space<vmem>> -> memref<8x1xi32, #tpu.memory_space<vmem>>
        %dma_wait3A_752 = arith.constant 0 : i32
        %dma_wait3A_753 = arith.constant 0 : i32
        %dma_wait3A_754 = tpu.memref_slice %arg2[%dma_wait3A_752, %dma_wait3A_753] : memref<8x100000xi32, #tpu.memory_space<hbm>> -> memref<8x1xi32, #tpu.memory_space<hbm>>
        tpu.wait_dma2 semaphore(%arg9 : memref<!tpu.dma_semaphore, #tpu.memory_space<semaphore_mem>>) src(%dma_wait3A_754 : memref<8x1xi32, #tpu.memory_space<hbm>>) dst(%dma_wait3A_751 : memref<8x1xi32, #tpu.memory_space<vmem>>)
        %mul3A_755 = arith.constant 16 : i32
        %mul3A_756 = arith.muli %sub3A_656, %mul3A_755 : i32
        %add3A_757 = arith.constant 7 : i32
        %add3A_758 = arith.addi %mul3A_756, %add3A_757 : i32
        %dma_wait3A_759 = arith.constant 0 : i32
        %dma_wait3A_760 = tpu.memref_slice %arg7[%dma_wait3A_759, %add3A_758] : memref<8x512xi32, #tpu.memory_space<vmem>> -> memref<8x1xi32, #tpu.memory_space<vmem>>
        %dma_wait3A_761 = arith.constant 0 : i32
        %dma_wait3A_762 = arith.constant 0 : i32
        %dma_wait3A_763 = tpu.memref_slice %arg2[%dma_wait3A_761, %dma_wait3A_762] : memref<8x100000xi32, #tpu.memory_space<hbm>> -> memref<8x1xi32, #tpu.memory_space<hbm>>
        %dma_wait3A_764 = arith.constant 0 : i32
        %dma_wait3A_765 = tpu.memref_slice %arg7[%dma_wait3A_764, %add3A_758] : memref<8x512xi32, #tpu.memory_space<vmem>> -> memref<8x1xi32, #tpu.memory_space<vmem>>
        %dma_wait3A_766 = arith.constant 0 : i32
        %dma_wait3A_767 = arith.constant 0 : i32
        %dma_wait3A_768 = tpu.memref_slice %arg2[%dma_wait3A_766, %dma_wait3A_767] : memref<8x100000xi32, #tpu.memory_space<hbm>> -> memref<8x1xi32, #tpu.memory_space<hbm>>
        tpu.wait_dma2 semaphore(%arg9 : memref<!tpu.dma_semaphore, #tpu.memory_space<semaphore_mem>>) src(%dma_wait3A_768 : memref<8x1xi32, #tpu.memory_space<hbm>>) dst(%dma_wait3A_765 : memref<8x1xi32, #tpu.memory_space<vmem>>)
        %mul3A_769 = arith.constant 16 : i32
        %mul3A_770 = arith.muli %sub3A_656, %mul3A_769 : i32
        %add3A_771 = arith.constant 8 : i32
        %add3A_772 = arith.addi %mul3A_770, %add3A_771 : i32
        %dma_wait3A_773 = arith.constant 0 : i32
        %dma_wait3A_774 = tpu.memref_slice %arg7[%dma_wait3A_773, %add3A_772] : memref<8x512xi32, #tpu.memory_space<vmem>> -> memref<8x1xi32, #tpu.memory_space<vmem>>
        %dma_wait3A_775 = arith.constant 0 : i32
        %dma_wait3A_776 = arith.constant 0 : i32
        %dma_wait3A_777 = tpu.memref_slice %arg2[%dma_wait3A_775, %dma_wait3A_776] : memref<8x100000xi32, #tpu.memory_space<hbm>> -> memref<8x1xi32, #tpu.memory_space<hbm>>
        %dma_wait3A_778 = arith.constant 0 : i32
        %dma_wait3A_779 = tpu.memref_slice %arg7[%dma_wait3A_778, %add3A_772] : memref<8x512xi32, #tpu.memory_space<vmem>> -> memref<8x1xi32, #tpu.memory_space<vmem>>
        %dma_wait3A_780 = arith.constant 0 : i32
        %dma_wait3A_781 = arith.constant 0 : i32
        %dma_wait3A_782 = tpu.memref_slice %arg2[%dma_wait3A_780, %dma_wait3A_781] : memref<8x100000xi32, #tpu.memory_space<hbm>> -> memref<8x1xi32, #tpu.memory_space<hbm>>
        tpu.wait_dma2 semaphore(%arg9 : memref<!tpu.dma_semaphore, #tpu.memory_space<semaphore_mem>>) src(%dma_wait3A_782 : memref<8x1xi32, #tpu.memory_space<hbm>>) dst(%dma_wait3A_779 : memref<8x1xi32, #tpu.memory_space<vmem>>)
        %mul3A_783 = arith.constant 16 : i32
        %mul3A_784 = arith.muli %sub3A_656, %mul3A_783 : i32
        %add3A_785 = arith.constant 9 : i32
        %add3A_786 = arith.addi %mul3A_784, %add3A_785 : i32
        %dma_wait3A_787 = arith.constant 0 : i32
        %dma_wait3A_788 = tpu.memref_slice %arg7[%dma_wait3A_787, %add3A_786] : memref<8x512xi32, #tpu.memory_space<vmem>> -> memref<8x1xi32, #tpu.memory_space<vmem>>
        %dma_wait3A_789 = arith.constant 0 : i32
        %dma_wait3A_790 = arith.constant 0 : i32
        %dma_wait3A_791 = tpu.memref_slice %arg2[%dma_wait3A_789, %dma_wait3A_790] : memref<8x100000xi32, #tpu.memory_space<hbm>> -> memref<8x1xi32, #tpu.memory_space<hbm>>
        %dma_wait3A_792 = arith.constant 0 : i32
        %dma_wait3A_793 = tpu.memref_slice %arg7[%dma_wait3A_792, %add3A_786] : memref<8x512xi32, #tpu.memory_space<vmem>> -> memref<8x1xi32, #tpu.memory_space<vmem>>
        %dma_wait3A_794 = arith.constant 0 : i32
        %dma_wait3A_795 = arith.constant 0 : i32
        %dma_wait3A_796 = tpu.memref_slice %arg2[%dma_wait3A_794, %dma_wait3A_795] : memref<8x100000xi32, #tpu.memory_space<hbm>> -> memref<8x1xi32, #tpu.memory_space<hbm>>
        tpu.wait_dma2 semaphore(%arg9 : memref<!tpu.dma_semaphore, #tpu.memory_space<semaphore_mem>>) src(%dma_wait3A_796 : memref<8x1xi32, #tpu.memory_space<hbm>>) dst(%dma_wait3A_793 : memref<8x1xi32, #tpu.memory_space<vmem>>)
        %mul3A_797 = arith.constant 16 : i32
        %mul3A_798 = arith.muli %sub3A_656, %mul3A_797 : i32
        %add3A_799 = arith.constant 10 : i32
        %add3A_800 = arith.addi %mul3A_798, %add3A_799 : i32
        %dma_wait3A_801 = arith.constant 0 : i32
        %dma_wait3A_802 = tpu.memref_slice %arg7[%dma_wait3A_801, %add3A_800] : memref<8x512xi32, #tpu.memory_space<vmem>> -> memref<8x1xi32, #tpu.memory_space<vmem>>
        %dma_wait3A_803 = arith.constant 0 : i32
        %dma_wait3A_804 = arith.constant 0 : i32
        %dma_wait3A_805 = tpu.memref_slice %arg2[%dma_wait3A_803, %dma_wait3A_804] : memref<8x100000xi32, #tpu.memory_space<hbm>> -> memref<8x1xi32, #tpu.memory_space<hbm>>
        %dma_wait3A_806 = arith.constant 0 : i32
        %dma_wait3A_807 = tpu.memref_slice %arg7[%dma_wait3A_806, %add3A_800] : memref<8x512xi32, #tpu.memory_space<vmem>> -> memref<8x1xi32, #tpu.memory_space<vmem>>
        %dma_wait3A_808 = arith.constant 0 : i32
        %dma_wait3A_809 = arith.constant 0 : i32
        %dma_wait3A_810 = tpu.memref_slice %arg2[%dma_wait3A_808, %dma_wait3A_809] : memref<8x100000xi32, #tpu.memory_space<hbm>> -> memref<8x1xi32, #tpu.memory_space<hbm>>
        tpu.wait_dma2 semaphore(%arg9 : memref<!tpu.dma_semaphore, #tpu.memory_space<semaphore_mem>>) src(%dma_wait3A_810 : memref<8x1xi32, #tpu.memory_space<hbm>>) dst(%dma_wait3A_807 : memref<8x1xi32, #tpu.memory_space<vmem>>)
        %mul3A_811 = arith.constant 16 : i32
        %mul3A_812 = arith.muli %sub3A_656, %mul3A_811 : i32
        %add3A_813 = arith.constant 11 : i32
        %add3A_814 = arith.addi %mul3A_812, %add3A_813 : i32
        %dma_wait3A_815 = arith.constant 0 : i32
        %dma_wait3A_816 = tpu.memref_slice %arg7[%dma_wait3A_815, %add3A_814] : memref<8x512xi32, #tpu.memory_space<vmem>> -> memref<8x1xi32, #tpu.memory_space<vmem>>
        %dma_wait3A_817 = arith.constant 0 : i32
        %dma_wait3A_818 = arith.constant 0 : i32
        %dma_wait3A_819 = tpu.memref_slice %arg2[%dma_wait3A_817, %dma_wait3A_818] : memref<8x100000xi32, #tpu.memory_space<hbm>> -> memref<8x1xi32, #tpu.memory_space<hbm>>
        %dma_wait3A_820 = arith.constant 0 : i32
        %dma_wait3A_821 = tpu.memref_slice %arg7[%dma_wait3A_820, %add3A_814] : memref<8x512xi32, #tpu.memory_space<vmem>> -> memref<8x1xi32, #tpu.memory_space<vmem>>
        %dma_wait3A_822 = arith.constant 0 : i32
        %dma_wait3A_823 = arith.constant 0 : i32
        %dma_wait3A_824 = tpu.memref_slice %arg2[%dma_wait3A_822, %dma_wait3A_823] : memref<8x100000xi32, #tpu.memory_space<hbm>> -> memref<8x1xi32, #tpu.memory_space<hbm>>
        tpu.wait_dma2 semaphore(%arg9 : memref<!tpu.dma_semaphore, #tpu.memory_space<semaphore_mem>>) src(%dma_wait3A_824 : memref<8x1xi32, #tpu.memory_space<hbm>>) dst(%dma_wait3A_821 : memref<8x1xi32, #tpu.memory_space<vmem>>)
        %mul3A_825 = arith.constant 16 : i32
        %mul3A_826 = arith.muli %sub3A_656, %mul3A_825 : i32
        %add3A_827 = arith.constant 12 : i32
        %add3A_828 = arith.addi %mul3A_826, %add3A_827 : i32
        %dma_wait3A_829 = arith.constant 0 : i32
        %dma_wait3A_830 = tpu.memref_slice %arg7[%dma_wait3A_829, %add3A_828] : memref<8x512xi32, #tpu.memory_space<vmem>> -> memref<8x1xi32, #tpu.memory_space<vmem>>
        %dma_wait3A_831 = arith.constant 0 : i32
        %dma_wait3A_832 = arith.constant 0 : i32
        %dma_wait3A_833 = tpu.memref_slice %arg2[%dma_wait3A_831, %dma_wait3A_832] : memref<8x100000xi32, #tpu.memory_space<hbm>> -> memref<8x1xi32, #tpu.memory_space<hbm>>
        %dma_wait3A_834 = arith.constant 0 : i32
        %dma_wait3A_835 = tpu.memref_slice %arg7[%dma_wait3A_834, %add3A_828] : memref<8x512xi32, #tpu.memory_space<vmem>> -> memref<8x1xi32, #tpu.memory_space<vmem>>
        %dma_wait3A_836 = arith.constant 0 : i32
        %dma_wait3A_837 = arith.constant 0 : i32
        %dma_wait3A_838 = tpu.memref_slice %arg2[%dma_wait3A_836, %dma_wait3A_837] : memref<8x100000xi32, #tpu.memory_space<hbm>> -> memref<8x1xi32, #tpu.memory_space<hbm>>
        tpu.wait_dma2 semaphore(%arg9 : memref<!tpu.dma_semaphore, #tpu.memory_space<semaphore_mem>>) src(%dma_wait3A_838 : memref<8x1xi32, #tpu.memory_space<hbm>>) dst(%dma_wait3A_835 : memref<8x1xi32, #tpu.memory_space<vmem>>)
        %mul3A_839 = arith.constant 16 : i32
        %mul3A_840 = arith.muli %sub3A_656, %mul3A_839 : i32
        %add3A_841 = arith.constant 13 : i32
        %add3A_842 = arith.addi %mul3A_840, %add3A_841 : i32
        %dma_wait3A_843 = arith.constant 0 : i32
        %dma_wait3A_844 = tpu.memref_slice %arg7[%dma_wait3A_843, %add3A_842] : memref<8x512xi32, #tpu.memory_space<vmem>> -> memref<8x1xi32, #tpu.memory_space<vmem>>
        %dma_wait3A_845 = arith.constant 0 : i32
        %dma_wait3A_846 = arith.constant 0 : i32
        %dma_wait3A_847 = tpu.memref_slice %arg2[%dma_wait3A_845, %dma_wait3A_846] : memref<8x100000xi32, #tpu.memory_space<hbm>> -> memref<8x1xi32, #tpu.memory_space<hbm>>
        %dma_wait3A_848 = arith.constant 0 : i32
        %dma_wait3A_849 = tpu.memref_slice %arg7[%dma_wait3A_848, %add3A_842] : memref<8x512xi32, #tpu.memory_space<vmem>> -> memref<8x1xi32, #tpu.memory_space<vmem>>
        %dma_wait3A_850 = arith.constant 0 : i32
        %dma_wait3A_851 = arith.constant 0 : i32
        %dma_wait3A_852 = tpu.memref_slice %arg2[%dma_wait3A_850, %dma_wait3A_851] : memref<8x100000xi32, #tpu.memory_space<hbm>> -> memref<8x1xi32, #tpu.memory_space<hbm>>
        tpu.wait_dma2 semaphore(%arg9 : memref<!tpu.dma_semaphore, #tpu.memory_space<semaphore_mem>>) src(%dma_wait3A_852 : memref<8x1xi32, #tpu.memory_space<hbm>>) dst(%dma_wait3A_849 : memref<8x1xi32, #tpu.memory_space<vmem>>)
        %mul3A_853 = arith.constant 16 : i32
        %mul3A_854 = arith.muli %sub3A_656, %mul3A_853 : i32
        %add3A_855 = arith.constant 14 : i32
        %add3A_856 = arith.addi %mul3A_854, %add3A_855 : i32
        %dma_wait3A_857 = arith.constant 0 : i32
        %dma_wait3A_858 = tpu.memref_slice %arg7[%dma_wait3A_857, %add3A_856] : memref<8x512xi32, #tpu.memory_space<vmem>> -> memref<8x1xi32, #tpu.memory_space<vmem>>
        %dma_wait3A_859 = arith.constant 0 : i32
        %dma_wait3A_860 = arith.constant 0 : i32
        %dma_wait3A_861 = tpu.memref_slice %arg2[%dma_wait3A_859, %dma_wait3A_860] : memref<8x100000xi32, #tpu.memory_space<hbm>> -> memref<8x1xi32, #tpu.memory_space<hbm>>
        %dma_wait3A_862 = arith.constant 0 : i32
        %dma_wait3A_863 = tpu.memref_slice %arg7[%dma_wait3A_862, %add3A_856] : memref<8x512xi32, #tpu.memory_space<vmem>> -> memref<8x1xi32, #tpu.memory_space<vmem>>
        %dma_wait3A_864 = arith.constant 0 : i32
        %dma_wait3A_865 = arith.constant 0 : i32
        %dma_wait3A_866 = tpu.memref_slice %arg2[%dma_wait3A_864, %dma_wait3A_865] : memref<8x100000xi32, #tpu.memory_space<hbm>> -> memref<8x1xi32, #tpu.memory_space<hbm>>
        tpu.wait_dma2 semaphore(%arg9 : memref<!tpu.dma_semaphore, #tpu.memory_space<semaphore_mem>>) src(%dma_wait3A_866 : memref<8x1xi32, #tpu.memory_space<hbm>>) dst(%dma_wait3A_863 : memref<8x1xi32, #tpu.memory_space<vmem>>)
        %mul3A_867 = arith.constant 16 : i32
        %mul3A_868 = arith.muli %sub3A_656, %mul3A_867 : i32
        %add3A_869 = arith.constant 15 : i32
        %add3A_870 = arith.addi %mul3A_868, %add3A_869 : i32
        %dma_wait3A_871 = arith.constant 0 : i32
        %dma_wait3A_872 = tpu.memref_slice %arg7[%dma_wait3A_871, %add3A_870] : memref<8x512xi32, #tpu.memory_space<vmem>> -> memref<8x1xi32, #tpu.memory_space<vmem>>
        %dma_wait3A_873 = arith.constant 0 : i32
        %dma_wait3A_874 = arith.constant 0 : i32
        %dma_wait3A_875 = tpu.memref_slice %arg2[%dma_wait3A_873, %dma_wait3A_874] : memref<8x100000xi32, #tpu.memory_space<hbm>> -> memref<8x1xi32, #tpu.memory_space<hbm>>
        %dma_wait3A_876 = arith.constant 0 : i32
        %dma_wait3A_877 = tpu.memref_slice %arg7[%dma_wait3A_876, %add3A_870] : memref<8x512xi32, #tpu.memory_space<vmem>> -> memref<8x1xi32, #tpu.memory_space<vmem>>
        %dma_wait3A_878 = arith.constant 0 : i32
        %dma_wait3A_879 = arith.constant 0 : i32
        %dma_wait3A_880 = tpu.memref_slice %arg2[%dma_wait3A_878, %dma_wait3A_879] : memref<8x100000xi32, #tpu.memory_space<hbm>> -> memref<8x1xi32, #tpu.memory_space<hbm>>
        tpu.wait_dma2 semaphore(%arg9 : memref<!tpu.dma_semaphore, #tpu.memory_space<semaphore_mem>>) src(%dma_wait3A_880 : memref<8x1xi32, #tpu.memory_space<hbm>>) dst(%dma_wait3A_877 : memref<8x1xi32, #tpu.memory_space<vmem>>)
      } else {
      }
    }
    %scan3A_41 = arith.constant 32 : i32
    %dma_wait3A_42 = arith.constant 0 : i32
    %dma_wait3A_43 = arith.constant 480 : i32
    %dma_wait3A_44 = tpu.memref_slice %arg7[%dma_wait3A_42, %dma_wait3A_43] : memref<8x512xi32, #tpu.memory_space<vmem>> -> memref<8x1xi32, #tpu.memory_space<vmem>>
    %dma_wait3A_45 = arith.constant 0 : i32
    %dma_wait3A_46 = arith.constant 0 : i32
    %dma_wait3A_47 = tpu.memref_slice %arg2[%dma_wait3A_45, %dma_wait3A_46] : memref<8x100000xi32, #tpu.memory_space<hbm>> -> memref<8x1xi32, #tpu.memory_space<hbm>>
    %dma_wait3A_48 = arith.constant 0 : i32
    %dma_wait3A_49 = arith.constant 480 : i32
    %dma_wait3A_50 = tpu.memref_slice %arg7[%dma_wait3A_48, %dma_wait3A_49] : memref<8x512xi32, #tpu.memory_space<vmem>> -> memref<8x1xi32, #tpu.memory_space<vmem>>
    %dma_wait3A_51 = arith.constant 0 : i32
    %dma_wait3A_52 = arith.constant 0 : i32
    %dma_wait3A_53 = tpu.memref_slice %arg2[%dma_wait3A_51, %dma_wait3A_52] : memref<8x100000xi32, #tpu.memory_space<hbm>> -> memref<8x1xi32, #tpu.memory_space<hbm>>
    tpu.wait_dma2 semaphore(%arg9 : memref<!tpu.dma_semaphore, #tpu.memory_space<semaphore_mem>>) src(%dma_wait3A_53 : memref<8x1xi32, #tpu.memory_space<hbm>>) dst(%dma_wait3A_50 : memref<8x1xi32, #tpu.memory_space<vmem>>)
    %dma_wait3A_54 = arith.constant 0 : i32
    %dma_wait3A_55 = arith.constant 481 : i32
    %dma_wait3A_56 = tpu.memref_slice %arg7[%dma_wait3A_54, %dma_wait3A_55] : memref<8x512xi32, #tpu.memory_space<vmem>> -> memref<8x1xi32, #tpu.memory_space<vmem>>
    %dma_wait3A_57 = arith.constant 0 : i32
    %dma_wait3A_58 = arith.constant 0 : i32
    %dma_wait3A_59 = tpu.memref_slice %arg2[%dma_wait3A_57, %dma_wait3A_58] : memref<8x100000xi32, #tpu.memory_space<hbm>> -> memref<8x1xi32, #tpu.memory_space<hbm>>
    %dma_wait3A_60 = arith.constant 0 : i32
    %dma_wait3A_61 = arith.constant 481 : i32
    %dma_wait3A_62 = tpu.memref_slice %arg7[%dma_wait3A_60, %dma_wait3A_61] : memref<8x512xi32, #tpu.memory_space<vmem>> -> memref<8x1xi32, #tpu.memory_space<vmem>>
    %dma_wait3A_63 = arith.constant 0 : i32
    %dma_wait3A_64 = arith.constant 0 : i32
    %dma_wait3A_65 = tpu.memref_slice %arg2[%dma_wait3A_63, %dma_wait3A_64] : memref<8x100000xi32, #tpu.memory_space<hbm>> -> memref<8x1xi32, #tpu.memory_space<hbm>>
    tpu.wait_dma2 semaphore(%arg9 : memref<!tpu.dma_semaphore, #tpu.memory_space<semaphore_mem>>) src(%dma_wait3A_65 : memref<8x1xi32, #tpu.memory_space<hbm>>) dst(%dma_wait3A_62 : memref<8x1xi32, #tpu.memory_space<vmem>>)
    %dma_wait3A_66 = arith.constant 0 : i32
    %dma_wait3A_67 = arith.constant 482 : i32
    %dma_wait3A_68 = tpu.memref_slice %arg7[%dma_wait3A_66, %dma_wait3A_67] : memref<8x512xi32, #tpu.memory_space<vmem>> -> memref<8x1xi32, #tpu.memory_space<vmem>>
    %dma_wait3A_69 = arith.constant 0 : i32
    %dma_wait3A_70 = arith.constant 0 : i32
    %dma_wait3A_71 = tpu.memref_slice %arg2[%dma_wait3A_69, %dma_wait3A_70] : memref<8x100000xi32, #tpu.memory_space<hbm>> -> memref<8x1xi32, #tpu.memory_space<hbm>>
    %dma_wait3A_72 = arith.constant 0 : i32
    %dma_wait3A_73 = arith.constant 482 : i32
    %dma_wait3A_74 = tpu.memref_slice %arg7[%dma_wait3A_72, %dma_wait3A_73] : memref<8x512xi32, #tpu.memory_space<vmem>> -> memref<8x1xi32, #tpu.memory_space<vmem>>
    %dma_wait3A_75 = arith.constant 0 : i32
    %dma_wait3A_76 = arith.constant 0 : i32
    %dma_wait3A_77 = tpu.memref_slice %arg2[%dma_wait3A_75, %dma_wait3A_76] : memref<8x100000xi32, #tpu.memory_space<hbm>> -> memref<8x1xi32, #tpu.memory_space<hbm>>
    tpu.wait_dma2 semaphore(%arg9 : memref<!tpu.dma_semaphore, #tpu.memory_space<semaphore_mem>>) src(%dma_wait3A_77 : memref<8x1xi32, #tpu.memory_space<hbm>>) dst(%dma_wait3A_74 : memref<8x1xi32, #tpu.memory_space<vmem>>)
    %dma_wait3A_78 = arith.constant 0 : i32
    %dma_wait3A_79 = arith.constant 483 : i32
    %dma_wait3A_80 = tpu.memref_slice %arg7[%dma_wait3A_78, %dma_wait3A_79] : memref<8x512xi32, #tpu.memory_space<vmem>> -> memref<8x1xi32, #tpu.memory_space<vmem>>
    %dma_wait3A_81 = arith.constant 0 : i32
    %dma_wait3A_82 = arith.constant 0 : i32
    %dma_wait3A_83 = tpu.memref_slice %arg2[%dma_wait3A_81, %dma_wait3A_82] : memref<8x100000xi32, #tpu.memory_space<hbm>> -> memref<8x1xi32, #tpu.memory_space<hbm>>
    %dma_wait3A_84 = arith.constant 0 : i32
    %dma_wait3A_85 = arith.constant 483 : i32
    %dma_wait3A_86 = tpu.memref_slice %arg7[%dma_wait3A_84, %dma_wait3A_85] : memref<8x512xi32, #tpu.memory_space<vmem>> -> memref<8x1xi32, #tpu.memory_space<vmem>>
    %dma_wait3A_87 = arith.constant 0 : i32
    %dma_wait3A_88 = arith.constant 0 : i32
    %dma_wait3A_89 = tpu.memref_slice %arg2[%dma_wait3A_87, %dma_wait3A_88] : memref<8x100000xi32, #tpu.memory_space<hbm>> -> memref<8x1xi32, #tpu.memory_space<hbm>>
    tpu.wait_dma2 semaphore(%arg9 : memref<!tpu.dma_semaphore, #tpu.memory_space<semaphore_mem>>) src(%dma_wait3A_89 : memref<8x1xi32, #tpu.memory_space<hbm>>) dst(%dma_wait3A_86 : memref<8x1xi32, #tpu.memory_space<vmem>>)
    %dma_wait3A_90 = arith.constant 0 : i32
    %dma_wait3A_91 = arith.constant 484 : i32
    %dma_wait3A_92 = tpu.memref_slice %arg7[%dma_wait3A_90, %dma_wait3A_91] : memref<8x512xi32, #tpu.memory_space<vmem>> -> memref<8x1xi32, #tpu.memory_space<vmem>>
    %dma_wait3A_93 = arith.constant 0 : i32
    %dma_wait3A_94 = arith.constant 0 : i32
    %dma_wait3A_95 = tpu.memref_slice %arg2[%dma_wait3A_93, %dma_wait3A_94] : memref<8x100000xi32, #tpu.memory_space<hbm>> -> memref<8x1xi32, #tpu.memory_space<hbm>>
    %dma_wait3A_96 = arith.constant 0 : i32
    %dma_wait3A_97 = arith.constant 484 : i32
    %dma_wait3A_98 = tpu.memref_slice %arg7[%dma_wait3A_96, %dma_wait3A_97] : memref<8x512xi32, #tpu.memory_space<vmem>> -> memref<8x1xi32, #tpu.memory_space<vmem>>
    %dma_wait3A_99 = arith.constant 0 : i32
    %dma_wait3A_100 = arith.constant 0 : i32
    %dma_wait3A_101 = tpu.memref_slice %arg2[%dma_wait3A_99, %dma_wait3A_100] : memref<8x100000xi32, #tpu.memory_space<hbm>> -> memref<8x1xi32, #tpu.memory_space<hbm>>
    tpu.wait_dma2 semaphore(%arg9 : memref<!tpu.dma_semaphore, #tpu.memory_space<semaphore_mem>>) src(%dma_wait3A_101 : memref<8x1xi32, #tpu.memory_space<hbm>>) dst(%dma_wait3A_98 : memref<8x1xi32, #tpu.memory_space<vmem>>)
    %dma_wait3A_102 = arith.constant 0 : i32
    %dma_wait3A_103 = arith.constant 485 : i32
    %dma_wait3A_104 = tpu.memref_slice %arg7[%dma_wait3A_102, %dma_wait3A_103] : memref<8x512xi32, #tpu.memory_space<vmem>> -> memref<8x1xi32, #tpu.memory_space<vmem>>
    %dma_wait3A_105 = arith.constant 0 : i32
    %dma_wait3A_106 = arith.constant 0 : i32
    %dma_wait3A_107 = tpu.memref_slice %arg2[%dma_wait3A_105, %dma_wait3A_106] : memref<8x100000xi32, #tpu.memory_space<hbm>> -> memref<8x1xi32, #tpu.memory_space<hbm>>
    %dma_wait3A_108 = arith.constant 0 : i32
    %dma_wait3A_109 = arith.constant 485 : i32
    %dma_wait3A_110 = tpu.memref_slice %arg7[%dma_wait3A_108, %dma_wait3A_109] : memref<8x512xi32, #tpu.memory_space<vmem>> -> memref<8x1xi32, #tpu.memory_space<vmem>>
    %dma_wait3A_111 = arith.constant 0 : i32
    %dma_wait3A_112 = arith.constant 0 : i32
    %dma_wait3A_113 = tpu.memref_slice %arg2[%dma_wait3A_111, %dma_wait3A_112] : memref<8x100000xi32, #tpu.memory_space<hbm>> -> memref<8x1xi32, #tpu.memory_space<hbm>>
    tpu.wait_dma2 semaphore(%arg9 : memref<!tpu.dma_semaphore, #tpu.memory_space<semaphore_mem>>) src(%dma_wait3A_113 : memref<8x1xi32, #tpu.memory_space<hbm>>) dst(%dma_wait3A_110 : memref<8x1xi32, #tpu.memory_space<vmem>>)
    %dma_wait3A_114 = arith.constant 0 : i32
    %dma_wait3A_115 = arith.constant 486 : i32
    %dma_wait3A_116 = tpu.memref_slice %arg7[%dma_wait3A_114, %dma_wait3A_115] : memref<8x512xi32, #tpu.memory_space<vmem>> -> memref<8x1xi32, #tpu.memory_space<vmem>>
    %dma_wait3A_117 = arith.constant 0 : i32
    %dma_wait3A_118 = arith.constant 0 : i32
    %dma_wait3A_119 = tpu.memref_slice %arg2[%dma_wait3A_117, %dma_wait3A_118] : memref<8x100000xi32, #tpu.memory_space<hbm>> -> memref<8x1xi32, #tpu.memory_space<hbm>>
    %dma_wait3A_120 = arith.constant 0 : i32
    %dma_wait3A_121 = arith.constant 486 : i32
    %dma_wait3A_122 = tpu.memref_slice %arg7[%dma_wait3A_120, %dma_wait3A_121] : memref<8x512xi32, #tpu.memory_space<vmem>> -> memref<8x1xi32, #tpu.memory_space<vmem>>
    %dma_wait3A_123 = arith.constant 0 : i32
    %dma_wait3A_124 = arith.constant 0 : i32
    %dma_wait3A_125 = tpu.memref_slice %arg2[%dma_wait3A_123, %dma_wait3A_124] : memref<8x100000xi32, #tpu.memory_space<hbm>> -> memref<8x1xi32, #tpu.memory_space<hbm>>
    tpu.wait_dma2 semaphore(%arg9 : memref<!tpu.dma_semaphore, #tpu.memory_space<semaphore_mem>>) src(%dma_wait3A_125 : memref<8x1xi32, #tpu.memory_space<hbm>>) dst(%dma_wait3A_122 : memref<8x1xi32, #tpu.memory_space<vmem>>)
    %dma_wait3A_126 = arith.constant 0 : i32
    %dma_wait3A_127 = arith.constant 487 : i32
    %dma_wait3A_128 = tpu.memref_slice %arg7[%dma_wait3A_126, %dma_wait3A_127] : memref<8x512xi32, #tpu.memory_space<vmem>> -> memref<8x1xi32, #tpu.memory_space<vmem>>
    %dma_wait3A_129 = arith.constant 0 : i32
    %dma_wait3A_130 = arith.constant 0 : i32
    %dma_wait3A_131 = tpu.memref_slice %arg2[%dma_wait3A_129, %dma_wait3A_130] : memref<8x100000xi32, #tpu.memory_space<hbm>> -> memref<8x1xi32, #tpu.memory_space<hbm>>
    %dma_wait3A_132 = arith.constant 0 : i32
    %dma_wait3A_133 = arith.constant 487 : i32
    %dma_wait3A_134 = tpu.memref_slice %arg7[%dma_wait3A_132, %dma_wait3A_133] : memref<8x512xi32, #tpu.memory_space<vmem>> -> memref<8x1xi32, #tpu.memory_space<vmem>>
    %dma_wait3A_135 = arith.constant 0 : i32
    %dma_wait3A_136 = arith.constant 0 : i32
    %dma_wait3A_137 = tpu.memref_slice %arg2[%dma_wait3A_135, %dma_wait3A_136] : memref<8x100000xi32, #tpu.memory_space<hbm>> -> memref<8x1xi32, #tpu.memory_space<hbm>>
    tpu.wait_dma2 semaphore(%arg9 : memref<!tpu.dma_semaphore, #tpu.memory_space<semaphore_mem>>) src(%dma_wait3A_137 : memref<8x1xi32, #tpu.memory_space<hbm>>) dst(%dma_wait3A_134 : memref<8x1xi32, #tpu.memory_space<vmem>>)
    %dma_wait3A_138 = arith.constant 0 : i32
    %dma_wait3A_139 = arith.constant 488 : i32
    %dma_wait3A_140 = tpu.memref_slice %arg7[%dma_wait3A_138, %dma_wait3A_139] : memref<8x512xi32, #tpu.memory_space<vmem>> -> memref<8x1xi32, #tpu.memory_space<vmem>>
    %dma_wait3A_141 = arith.constant 0 : i32
    %dma_wait3A_142 = arith.constant 0 : i32
    %dma_wait3A_143 = tpu.memref_slice %arg2[%dma_wait3A_141, %dma_wait3A_142] : memref<8x100000xi32, #tpu.memory_space<hbm>> -> memref<8x1xi32, #tpu.memory_space<hbm>>
    %dma_wait3A_144 = arith.constant 0 : i32
    %dma_wait3A_145 = arith.constant 488 : i32
    %dma_wait3A_146 = tpu.memref_slice %arg7[%dma_wait3A_144, %dma_wait3A_145] : memref<8x512xi32, #tpu.memory_space<vmem>> -> memref<8x1xi32, #tpu.memory_space<vmem>>
    %dma_wait3A_147 = arith.constant 0 : i32
    %dma_wait3A_148 = arith.constant 0 : i32
    %dma_wait3A_149 = tpu.memref_slice %arg2[%dma_wait3A_147, %dma_wait3A_148] : memref<8x100000xi32, #tpu.memory_space<hbm>> -> memref<8x1xi32, #tpu.memory_space<hbm>>
    tpu.wait_dma2 semaphore(%arg9 : memref<!tpu.dma_semaphore, #tpu.memory_space<semaphore_mem>>) src(%dma_wait3A_149 : memref<8x1xi32, #tpu.memory_space<hbm>>) dst(%dma_wait3A_146 : memref<8x1xi32, #tpu.memory_space<vmem>>)
    %dma_wait3A_150 = arith.constant 0 : i32
    %dma_wait3A_151 = arith.constant 489 : i32
    %dma_wait3A_152 = tpu.memref_slice %arg7[%dma_wait3A_150, %dma_wait3A_151] : memref<8x512xi32, #tpu.memory_space<vmem>> -> memref<8x1xi32, #tpu.memory_space<vmem>>
    %dma_wait3A_153 = arith.constant 0 : i32
    %dma_wait3A_154 = arith.constant 0 : i32
    %dma_wait3A_155 = tpu.memref_slice %arg2[%dma_wait3A_153, %dma_wait3A_154] : memref<8x100000xi32, #tpu.memory_space<hbm>> -> memref<8x1xi32, #tpu.memory_space<hbm>>
    %dma_wait3A_156 = arith.constant 0 : i32
    %dma_wait3A_157 = arith.constant 489 : i32
    %dma_wait3A_158 = tpu.memref_slice %arg7[%dma_wait3A_156, %dma_wait3A_157] : memref<8x512xi32, #tpu.memory_space<vmem>> -> memref<8x1xi32, #tpu.memory_space<vmem>>
    %dma_wait3A_159 = arith.constant 0 : i32
    %dma_wait3A_160 = arith.constant 0 : i32
    %dma_wait3A_161 = tpu.memref_slice %arg2[%dma_wait3A_159, %dma_wait3A_160] : memref<8x100000xi32, #tpu.memory_space<hbm>> -> memref<8x1xi32, #tpu.memory_space<hbm>>
    tpu.wait_dma2 semaphore(%arg9 : memref<!tpu.dma_semaphore, #tpu.memory_space<semaphore_mem>>) src(%dma_wait3A_161 : memref<8x1xi32, #tpu.memory_space<hbm>>) dst(%dma_wait3A_158 : memref<8x1xi32, #tpu.memory_space<vmem>>)
    %dma_wait3A_162 = arith.constant 0 : i32
    %dma_wait3A_163 = arith.constant 490 : i32
    %dma_wait3A_164 = tpu.memref_slice %arg7[%dma_wait3A_162, %dma_wait3A_163] : memref<8x512xi32, #tpu.memory_space<vmem>> -> memref<8x1xi32, #tpu.memory_space<vmem>>
    %dma_wait3A_165 = arith.constant 0 : i32
    %dma_wait3A_166 = arith.constant 0 : i32
    %dma_wait3A_167 = tpu.memref_slice %arg2[%dma_wait3A_165, %dma_wait3A_166] : memref<8x100000xi32, #tpu.memory_space<hbm>> -> memref<8x1xi32, #tpu.memory_space<hbm>>
    %dma_wait3A_168 = arith.constant 0 : i32
    %dma_wait3A_169 = arith.constant 490 : i32
    %dma_wait3A_170 = tpu.memref_slice %arg7[%dma_wait3A_168, %dma_wait3A_169] : memref<8x512xi32, #tpu.memory_space<vmem>> -> memref<8x1xi32, #tpu.memory_space<vmem>>
    %dma_wait3A_171 = arith.constant 0 : i32
    %dma_wait3A_172 = arith.constant 0 : i32
    %dma_wait3A_173 = tpu.memref_slice %arg2[%dma_wait3A_171, %dma_wait3A_172] : memref<8x100000xi32, #tpu.memory_space<hbm>> -> memref<8x1xi32, #tpu.memory_space<hbm>>
    tpu.wait_dma2 semaphore(%arg9 : memref<!tpu.dma_semaphore, #tpu.memory_space<semaphore_mem>>) src(%dma_wait3A_173 : memref<8x1xi32, #tpu.memory_space<hbm>>) dst(%dma_wait3A_170 : memref<8x1xi32, #tpu.memory_space<vmem>>)
    %dma_wait3A_174 = arith.constant 0 : i32
    %dma_wait3A_175 = arith.constant 491 : i32
    %dma_wait3A_176 = tpu.memref_slice %arg7[%dma_wait3A_174, %dma_wait3A_175] : memref<8x512xi32, #tpu.memory_space<vmem>> -> memref<8x1xi32, #tpu.memory_space<vmem>>
    %dma_wait3A_177 = arith.constant 0 : i32
    %dma_wait3A_178 = arith.constant 0 : i32
    %dma_wait3A_179 = tpu.memref_slice %arg2[%dma_wait3A_177, %dma_wait3A_178] : memref<8x100000xi32, #tpu.memory_space<hbm>> -> memref<8x1xi32, #tpu.memory_space<hbm>>
    %dma_wait3A_180 = arith.constant 0 : i32
    %dma_wait3A_181 = arith.constant 491 : i32
    %dma_wait3A_182 = tpu.memref_slice %arg7[%dma_wait3A_180, %dma_wait3A_181] : memref<8x512xi32, #tpu.memory_space<vmem>> -> memref<8x1xi32, #tpu.memory_space<vmem>>
    %dma_wait3A_183 = arith.constant 0 : i32
    %dma_wait3A_184 = arith.constant 0 : i32
    %dma_wait3A_185 = tpu.memref_slice %arg2[%dma_wait3A_183, %dma_wait3A_184] : memref<8x100000xi32, #tpu.memory_space<hbm>> -> memref<8x1xi32, #tpu.memory_space<hbm>>
    tpu.wait_dma2 semaphore(%arg9 : memref<!tpu.dma_semaphore, #tpu.memory_space<semaphore_mem>>) src(%dma_wait3A_185 : memref<8x1xi32, #tpu.memory_space<hbm>>) dst(%dma_wait3A_182 : memref<8x1xi32, #tpu.memory_space<vmem>>)
    %dma_wait3A_186 = arith.constant 0 : i32
    %dma_wait3A_187 = arith.constant 492 : i32
    %dma_wait3A_188 = tpu.memref_slice %arg7[%dma_wait3A_186, %dma_wait3A_187] : memref<8x512xi32, #tpu.memory_space<vmem>> -> memref<8x1xi32, #tpu.memory_space<vmem>>
    %dma_wait3A_189 = arith.constant 0 : i32
    %dma_wait3A_190 = arith.constant 0 : i32
    %dma_wait3A_191 = tpu.memref_slice %arg2[%dma_wait3A_189, %dma_wait3A_190] : memref<8x100000xi32, #tpu.memory_space<hbm>> -> memref<8x1xi32, #tpu.memory_space<hbm>>
    %dma_wait3A_192 = arith.constant 0 : i32
    %dma_wait3A_193 = arith.constant 492 : i32
    %dma_wait3A_194 = tpu.memref_slice %arg7[%dma_wait3A_192, %dma_wait3A_193] : memref<8x512xi32, #tpu.memory_space<vmem>> -> memref<8x1xi32, #tpu.memory_space<vmem>>
    %dma_wait3A_195 = arith.constant 0 : i32
    %dma_wait3A_196 = arith.constant 0 : i32
    %dma_wait3A_197 = tpu.memref_slice %arg2[%dma_wait3A_195, %dma_wait3A_196] : memref<8x100000xi32, #tpu.memory_space<hbm>> -> memref<8x1xi32, #tpu.memory_space<hbm>>
    tpu.wait_dma2 semaphore(%arg9 : memref<!tpu.dma_semaphore, #tpu.memory_space<semaphore_mem>>) src(%dma_wait3A_197 : memref<8x1xi32, #tpu.memory_space<hbm>>) dst(%dma_wait3A_194 : memref<8x1xi32, #tpu.memory_space<vmem>>)
    %dma_wait3A_198 = arith.constant 0 : i32
    %dma_wait3A_199 = arith.constant 493 : i32
    %dma_wait3A_200 = tpu.memref_slice %arg7[%dma_wait3A_198, %dma_wait3A_199] : memref<8x512xi32, #tpu.memory_space<vmem>> -> memref<8x1xi32, #tpu.memory_space<vmem>>
    %dma_wait3A_201 = arith.constant 0 : i32
    %dma_wait3A_202 = arith.constant 0 : i32
    %dma_wait3A_203 = tpu.memref_slice %arg2[%dma_wait3A_201, %dma_wait3A_202] : memref<8x100000xi32, #tpu.memory_space<hbm>> -> memref<8x1xi32, #tpu.memory_space<hbm>>
    %dma_wait3A_204 = arith.constant 0 : i32
    %dma_wait3A_205 = arith.constant 493 : i32
    %dma_wait3A_206 = tpu.memref_slice %arg7[%dma_wait3A_204, %dma_wait3A_205] : memref<8x512xi32, #tpu.memory_space<vmem>> -> memref<8x1xi32, #tpu.memory_space<vmem>>
    %dma_wait3A_207 = arith.constant 0 : i32
    %dma_wait3A_208 = arith.constant 0 : i32
    %dma_wait3A_209 = tpu.memref_slice %arg2[%dma_wait3A_207, %dma_wait3A_208] : memref<8x100000xi32, #tpu.memory_space<hbm>> -> memref<8x1xi32, #tpu.memory_space<hbm>>
    tpu.wait_dma2 semaphore(%arg9 : memref<!tpu.dma_semaphore, #tpu.memory_space<semaphore_mem>>) src(%dma_wait3A_209 : memref<8x1xi32, #tpu.memory_space<hbm>>) dst(%dma_wait3A_206 : memref<8x1xi32, #tpu.memory_space<vmem>>)
    %dma_wait3A_210 = arith.constant 0 : i32
    %dma_wait3A_211 = arith.constant 494 : i32
    %dma_wait3A_212 = tpu.memref_slice %arg7[%dma_wait3A_210, %dma_wait3A_211] : memref<8x512xi32, #tpu.memory_space<vmem>> -> memref<8x1xi32, #tpu.memory_space<vmem>>
    %dma_wait3A_213 = arith.constant 0 : i32
    %dma_wait3A_214 = arith.constant 0 : i32
    %dma_wait3A_215 = tpu.memref_slice %arg2[%dma_wait3A_213, %dma_wait3A_214] : memref<8x100000xi32, #tpu.memory_space<hbm>> -> memref<8x1xi32, #tpu.memory_space<hbm>>
    %dma_wait3A_216 = arith.constant 0 : i32
    %dma_wait3A_217 = arith.constant 494 : i32
    %dma_wait3A_218 = tpu.memref_slice %arg7[%dma_wait3A_216, %dma_wait3A_217] : memref<8x512xi32, #tpu.memory_space<vmem>> -> memref<8x1xi32, #tpu.memory_space<vmem>>
    %dma_wait3A_219 = arith.constant 0 : i32
    %dma_wait3A_220 = arith.constant 0 : i32
    %dma_wait3A_221 = tpu.memref_slice %arg2[%dma_wait3A_219, %dma_wait3A_220] : memref<8x100000xi32, #tpu.memory_space<hbm>> -> memref<8x1xi32, #tpu.memory_space<hbm>>
    tpu.wait_dma2 semaphore(%arg9 : memref<!tpu.dma_semaphore, #tpu.memory_space<semaphore_mem>>) src(%dma_wait3A_221 : memref<8x1xi32, #tpu.memory_space<hbm>>) dst(%dma_wait3A_218 : memref<8x1xi32, #tpu.memory_space<vmem>>)
    %dma_wait3A_222 = arith.constant 0 : i32
    %dma_wait3A_223 = arith.constant 495 : i32
    %dma_wait3A_224 = tpu.memref_slice %arg7[%dma_wait3A_222, %dma_wait3A_223] : memref<8x512xi32, #tpu.memory_space<vmem>> -> memref<8x1xi32, #tpu.memory_space<vmem>>
    %dma_wait3A_225 = arith.constant 0 : i32
    %dma_wait3A_226 = arith.constant 0 : i32
    %dma_wait3A_227 = tpu.memref_slice %arg2[%dma_wait3A_225, %dma_wait3A_226] : memref<8x100000xi32, #tpu.memory_space<hbm>> -> memref<8x1xi32, #tpu.memory_space<hbm>>
    %dma_wait3A_228 = arith.constant 0 : i32
    %dma_wait3A_229 = arith.constant 495 : i32
    %dma_wait3A_230 = tpu.memref_slice %arg7[%dma_wait3A_228, %dma_wait3A_229] : memref<8x512xi32, #tpu.memory_space<vmem>> -> memref<8x1xi32, #tpu.memory_space<vmem>>
    %dma_wait3A_231 = arith.constant 0 : i32
    %dma_wait3A_232 = arith.constant 0 : i32
    %dma_wait3A_233 = tpu.memref_slice %arg2[%dma_wait3A_231, %dma_wait3A_232] : memref<8x100000xi32, #tpu.memory_space<hbm>> -> memref<8x1xi32, #tpu.memory_space<hbm>>
    tpu.wait_dma2 semaphore(%arg9 : memref<!tpu.dma_semaphore, #tpu.memory_space<semaphore_mem>>) src(%dma_wait3A_233 : memref<8x1xi32, #tpu.memory_space<hbm>>) dst(%dma_wait3A_230 : memref<8x1xi32, #tpu.memory_space<vmem>>)
    %dma_wait3A_234 = arith.constant 0 : i32
    %dma_wait3A_235 = arith.constant 496 : i32
    %dma_wait3A_236 = tpu.memref_slice %arg7[%dma_wait3A_234, %dma_wait3A_235] : memref<8x512xi32, #tpu.memory_space<vmem>> -> memref<8x1xi32, #tpu.memory_space<vmem>>
    %dma_wait3A_237 = arith.constant 0 : i32
    %dma_wait3A_238 = arith.constant 0 : i32
    %dma_wait3A_239 = tpu.memref_slice %arg2[%dma_wait3A_237, %dma_wait3A_238] : memref<8x100000xi32, #tpu.memory_space<hbm>> -> memref<8x1xi32, #tpu.memory_space<hbm>>
    %dma_wait3A_240 = arith.constant 0 : i32
    %dma_wait3A_241 = arith.constant 496 : i32
    %dma_wait3A_242 = tpu.memref_slice %arg7[%dma_wait3A_240, %dma_wait3A_241] : memref<8x512xi32, #tpu.memory_space<vmem>> -> memref<8x1xi32, #tpu.memory_space<vmem>>
    %dma_wait3A_243 = arith.constant 0 : i32
    %dma_wait3A_244 = arith.constant 0 : i32
    %dma_wait3A_245 = tpu.memref_slice %arg2[%dma_wait3A_243, %dma_wait3A_244] : memref<8x100000xi32, #tpu.memory_space<hbm>> -> memref<8x1xi32, #tpu.memory_space<hbm>>
    tpu.wait_dma2 semaphore(%arg9 : memref<!tpu.dma_semaphore, #tpu.memory_space<semaphore_mem>>) src(%dma_wait3A_245 : memref<8x1xi32, #tpu.memory_space<hbm>>) dst(%dma_wait3A_242 : memref<8x1xi32, #tpu.memory_space<vmem>>)
    %dma_wait3A_246 = arith.constant 0 : i32
    %dma_wait3A_247 = arith.constant 497 : i32
    %dma_wait3A_248 = tpu.memref_slice %arg7[%dma_wait3A_246, %dma_wait3A_247] : memref<8x512xi32, #tpu.memory_space<vmem>> -> memref<8x1xi32, #tpu.memory_space<vmem>>
    %dma_wait3A_249 = arith.constant 0 : i32
    %dma_wait3A_250 = arith.constant 0 : i32
    %dma_wait3A_251 = tpu.memref_slice %arg2[%dma_wait3A_249, %dma_wait3A_250] : memref<8x100000xi32, #tpu.memory_space<hbm>> -> memref<8x1xi32, #tpu.memory_space<hbm>>
    %dma_wait3A_252 = arith.constant 0 : i32
    %dma_wait3A_253 = arith.constant 497 : i32
    %dma_wait3A_254 = tpu.memref_slice %arg7[%dma_wait3A_252, %dma_wait3A_253] : memref<8x512xi32, #tpu.memory_space<vmem>> -> memref<8x1xi32, #tpu.memory_space<vmem>>
    %dma_wait3A_255 = arith.constant 0 : i32
    %dma_wait3A_256 = arith.constant 0 : i32
    %dma_wait3A_257 = tpu.memref_slice %arg2[%dma_wait3A_255, %dma_wait3A_256] : memref<8x100000xi32, #tpu.memory_space<hbm>> -> memref<8x1xi32, #tpu.memory_space<hbm>>
    tpu.wait_dma2 semaphore(%arg9 : memref<!tpu.dma_semaphore, #tpu.memory_space<semaphore_mem>>) src(%dma_wait3A_257 : memref<8x1xi32, #tpu.memory_space<hbm>>) dst(%dma_wait3A_254 : memref<8x1xi32, #tpu.memory_space<vmem>>)
    %dma_wait3A_258 = arith.constant 0 : i32
    %dma_wait3A_259 = arith.constant 498 : i32
    %dma_wait3A_260 = tpu.memref_slice %arg7[%dma_wait3A_258, %dma_wait3A_259] : memref<8x512xi32, #tpu.memory_space<vmem>> -> memref<8x1xi32, #tpu.memory_space<vmem>>
    %dma_wait3A_261 = arith.constant 0 : i32
    %dma_wait3A_262 = arith.constant 0 : i32
    %dma_wait3A_263 = tpu.memref_slice %arg2[%dma_wait3A_261, %dma_wait3A_262] : memref<8x100000xi32, #tpu.memory_space<hbm>> -> memref<8x1xi32, #tpu.memory_space<hbm>>
    %dma_wait3A_264 = arith.constant 0 : i32
    %dma_wait3A_265 = arith.constant 498 : i32
    %dma_wait3A_266 = tpu.memref_slice %arg7[%dma_wait3A_264, %dma_wait3A_265] : memref<8x512xi32, #tpu.memory_space<vmem>> -> memref<8x1xi32, #tpu.memory_space<vmem>>
    %dma_wait3A_267 = arith.constant 0 : i32
    %dma_wait3A_268 = arith.constant 0 : i32
    %dma_wait3A_269 = tpu.memref_slice %arg2[%dma_wait3A_267, %dma_wait3A_268] : memref<8x100000xi32, #tpu.memory_space<hbm>> -> memref<8x1xi32, #tpu.memory_space<hbm>>
    tpu.wait_dma2 semaphore(%arg9 : memref<!tpu.dma_semaphore, #tpu.memory_space<semaphore_mem>>) src(%dma_wait3A_269 : memref<8x1xi32, #tpu.memory_space<hbm>>) dst(%dma_wait3A_266 : memref<8x1xi32, #tpu.memory_space<vmem>>)
    %dma_wait3A_270 = arith.constant 0 : i32
    %dma_wait3A_271 = arith.constant 499 : i32
    %dma_wait3A_272 = tpu.memref_slice %arg7[%dma_wait3A_270, %dma_wait3A_271] : memref<8x512xi32, #tpu.memory_space<vmem>> -> memref<8x1xi32, #tpu.memory_space<vmem>>
    %dma_wait3A_273 = arith.constant 0 : i32
    %dma_wait3A_274 = arith.constant 0 : i32
    %dma_wait3A_275 = tpu.memref_slice %arg2[%dma_wait3A_273, %dma_wait3A_274] : memref<8x100000xi32, #tpu.memory_space<hbm>> -> memref<8x1xi32, #tpu.memory_space<hbm>>
    %dma_wait3A_276 = arith.constant 0 : i32
    %dma_wait3A_277 = arith.constant 499 : i32
    %dma_wait3A_278 = tpu.memref_slice %arg7[%dma_wait3A_276, %dma_wait3A_277] : memref<8x512xi32, #tpu.memory_space<vmem>> -> memref<8x1xi32, #tpu.memory_space<vmem>>
    %dma_wait3A_279 = arith.constant 0 : i32
    %dma_wait3A_280 = arith.constant 0 : i32
    %dma_wait3A_281 = tpu.memref_slice %arg2[%dma_wait3A_279, %dma_wait3A_280] : memref<8x100000xi32, #tpu.memory_space<hbm>> -> memref<8x1xi32, #tpu.memory_space<hbm>>
    tpu.wait_dma2 semaphore(%arg9 : memref<!tpu.dma_semaphore, #tpu.memory_space<semaphore_mem>>) src(%dma_wait3A_281 : memref<8x1xi32, #tpu.memory_space<hbm>>) dst(%dma_wait3A_278 : memref<8x1xi32, #tpu.memory_space<vmem>>)
    %dma_wait3A_282 = arith.constant 0 : i32
    %dma_wait3A_283 = arith.constant 500 : i32
    %dma_wait3A_284 = tpu.memref_slice %arg7[%dma_wait3A_282, %dma_wait3A_283] : memref<8x512xi32, #tpu.memory_space<vmem>> -> memref<8x1xi32, #tpu.memory_space<vmem>>
    %dma_wait3A_285 = arith.constant 0 : i32
    %dma_wait3A_286 = arith.constant 0 : i32
    %dma_wait3A_287 = tpu.memref_slice %arg2[%dma_wait3A_285, %dma_wait3A_286] : memref<8x100000xi32, #tpu.memory_space<hbm>> -> memref<8x1xi32, #tpu.memory_space<hbm>>
    %dma_wait3A_288 = arith.constant 0 : i32
    %dma_wait3A_289 = arith.constant 500 : i32
    %dma_wait3A_290 = tpu.memref_slice %arg7[%dma_wait3A_288, %dma_wait3A_289] : memref<8x512xi32, #tpu.memory_space<vmem>> -> memref<8x1xi32, #tpu.memory_space<vmem>>
    %dma_wait3A_291 = arith.constant 0 : i32
    %dma_wait3A_292 = arith.constant 0 : i32
    %dma_wait3A_293 = tpu.memref_slice %arg2[%dma_wait3A_291, %dma_wait3A_292] : memref<8x100000xi32, #tpu.memory_space<hbm>> -> memref<8x1xi32, #tpu.memory_space<hbm>>
    tpu.wait_dma2 semaphore(%arg9 : memref<!tpu.dma_semaphore, #tpu.memory_space<semaphore_mem>>) src(%dma_wait3A_293 : memref<8x1xi32, #tpu.memory_space<hbm>>) dst(%dma_wait3A_290 : memref<8x1xi32, #tpu.memory_space<vmem>>)
    %dma_wait3A_294 = arith.constant 0 : i32
    %dma_wait3A_295 = arith.constant 501 : i32
    %dma_wait3A_296 = tpu.memref_slice %arg7[%dma_wait3A_294, %dma_wait3A_295] : memref<8x512xi32, #tpu.memory_space<vmem>> -> memref<8x1xi32, #tpu.memory_space<vmem>>
    %dma_wait3A_297 = arith.constant 0 : i32
    %dma_wait3A_298 = arith.constant 0 : i32
    %dma_wait3A_299 = tpu.memref_slice %arg2[%dma_wait3A_297, %dma_wait3A_298] : memref<8x100000xi32, #tpu.memory_space<hbm>> -> memref<8x1xi32, #tpu.memory_space<hbm>>
    %dma_wait3A_300 = arith.constant 0 : i32
    %dma_wait3A_301 = arith.constant 501 : i32
    %dma_wait3A_302 = tpu.memref_slice %arg7[%dma_wait3A_300, %dma_wait3A_301] : memref<8x512xi32, #tpu.memory_space<vmem>> -> memref<8x1xi32, #tpu.memory_space<vmem>>
    %dma_wait3A_303 = arith.constant 0 : i32
    %dma_wait3A_304 = arith.constant 0 : i32
    %dma_wait3A_305 = tpu.memref_slice %arg2[%dma_wait3A_303, %dma_wait3A_304] : memref<8x100000xi32, #tpu.memory_space<hbm>> -> memref<8x1xi32, #tpu.memory_space<hbm>>
    tpu.wait_dma2 semaphore(%arg9 : memref<!tpu.dma_semaphore, #tpu.memory_space<semaphore_mem>>) src(%dma_wait3A_305 : memref<8x1xi32, #tpu.memory_space<hbm>>) dst(%dma_wait3A_302 : memref<8x1xi32, #tpu.memory_space<vmem>>)
    %dma_wait3A_306 = arith.constant 0 : i32
    %dma_wait3A_307 = arith.constant 502 : i32
    %dma_wait3A_308 = tpu.memref_slice %arg7[%dma_wait3A_306, %dma_wait3A_307] : memref<8x512xi32, #tpu.memory_space<vmem>> -> memref<8x1xi32, #tpu.memory_space<vmem>>
    %dma_wait3A_309 = arith.constant 0 : i32
    %dma_wait3A_310 = arith.constant 0 : i32
    %dma_wait3A_311 = tpu.memref_slice %arg2[%dma_wait3A_309, %dma_wait3A_310] : memref<8x100000xi32, #tpu.memory_space<hbm>> -> memref<8x1xi32, #tpu.memory_space<hbm>>
    %dma_wait3A_312 = arith.constant 0 : i32
    %dma_wait3A_313 = arith.constant 502 : i32
    %dma_wait3A_314 = tpu.memref_slice %arg7[%dma_wait3A_312, %dma_wait3A_313] : memref<8x512xi32, #tpu.memory_space<vmem>> -> memref<8x1xi32, #tpu.memory_space<vmem>>
    %dma_wait3A_315 = arith.constant 0 : i32
    %dma_wait3A_316 = arith.constant 0 : i32
    %dma_wait3A_317 = tpu.memref_slice %arg2[%dma_wait3A_315, %dma_wait3A_316] : memref<8x100000xi32, #tpu.memory_space<hbm>> -> memref<8x1xi32, #tpu.memory_space<hbm>>
    tpu.wait_dma2 semaphore(%arg9 : memref<!tpu.dma_semaphore, #tpu.memory_space<semaphore_mem>>) src(%dma_wait3A_317 : memref<8x1xi32, #tpu.memory_space<hbm>>) dst(%dma_wait3A_314 : memref<8x1xi32, #tpu.memory_space<vmem>>)
    %dma_wait3A_318 = arith.constant 0 : i32
    %dma_wait3A_319 = arith.constant 503 : i32
    %dma_wait3A_320 = tpu.memref_slice %arg7[%dma_wait3A_318, %dma_wait3A_319] : memref<8x512xi32, #tpu.memory_space<vmem>> -> memref<8x1xi32, #tpu.memory_space<vmem>>
    %dma_wait3A_321 = arith.constant 0 : i32
    %dma_wait3A_322 = arith.constant 0 : i32
    %dma_wait3A_323 = tpu.memref_slice %arg2[%dma_wait3A_321, %dma_wait3A_322] : memref<8x100000xi32, #tpu.memory_space<hbm>> -> memref<8x1xi32, #tpu.memory_space<hbm>>
    %dma_wait3A_324 = arith.constant 0 : i32
    %dma_wait3A_325 = arith.constant 503 : i32
    %dma_wait3A_326 = tpu.memref_slice %arg7[%dma_wait3A_324, %dma_wait3A_325] : memref<8x512xi32, #tpu.memory_space<vmem>> -> memref<8x1xi32, #tpu.memory_space<vmem>>
    %dma_wait3A_327 = arith.constant 0 : i32
    %dma_wait3A_328 = arith.constant 0 : i32
    %dma_wait3A_329 = tpu.memref_slice %arg2[%dma_wait3A_327, %dma_wait3A_328] : memref<8x100000xi32, #tpu.memory_space<hbm>> -> memref<8x1xi32, #tpu.memory_space<hbm>>
    tpu.wait_dma2 semaphore(%arg9 : memref<!tpu.dma_semaphore, #tpu.memory_space<semaphore_mem>>) src(%dma_wait3A_329 : memref<8x1xi32, #tpu.memory_space<hbm>>) dst(%dma_wait3A_326 : memref<8x1xi32, #tpu.memory_space<vmem>>)
    %dma_wait3A_330 = arith.constant 0 : i32
    %dma_wait3A_331 = arith.constant 504 : i32
    %dma_wait3A_332 = tpu.memref_slice %arg7[%dma_wait3A_330, %dma_wait3A_331] : memref<8x512xi32, #tpu.memory_space<vmem>> -> memref<8x1xi32, #tpu.memory_space<vmem>>
    %dma_wait3A_333 = arith.constant 0 : i32
    %dma_wait3A_334 = arith.constant 0 : i32
    %dma_wait3A_335 = tpu.memref_slice %arg2[%dma_wait3A_333, %dma_wait3A_334] : memref<8x100000xi32, #tpu.memory_space<hbm>> -> memref<8x1xi32, #tpu.memory_space<hbm>>
    %dma_wait3A_336 = arith.constant 0 : i32
    %dma_wait3A_337 = arith.constant 504 : i32
    %dma_wait3A_338 = tpu.memref_slice %arg7[%dma_wait3A_336, %dma_wait3A_337] : memref<8x512xi32, #tpu.memory_space<vmem>> -> memref<8x1xi32, #tpu.memory_space<vmem>>
    %dma_wait3A_339 = arith.constant 0 : i32
    %dma_wait3A_340 = arith.constant 0 : i32
    %dma_wait3A_341 = tpu.memref_slice %arg2[%dma_wait3A_339, %dma_wait3A_340] : memref<8x100000xi32, #tpu.memory_space<hbm>> -> memref<8x1xi32, #tpu.memory_space<hbm>>
    tpu.wait_dma2 semaphore(%arg9 : memref<!tpu.dma_semaphore, #tpu.memory_space<semaphore_mem>>) src(%dma_wait3A_341 : memref<8x1xi32, #tpu.memory_space<hbm>>) dst(%dma_wait3A_338 : memref<8x1xi32, #tpu.memory_space<vmem>>)
    %dma_wait3A_342 = arith.constant 0 : i32
    %dma_wait3A_343 = arith.constant 505 : i32
    %dma_wait3A_344 = tpu.memref_slice %arg7[%dma_wait3A_342, %dma_wait3A_343] : memref<8x512xi32, #tpu.memory_space<vmem>> -> memref<8x1xi32, #tpu.memory_space<vmem>>
    %dma_wait3A_345 = arith.constant 0 : i32
    %dma_wait3A_346 = arith.constant 0 : i32
    %dma_wait3A_347 = tpu.memref_slice %arg2[%dma_wait3A_345, %dma_wait3A_346] : memref<8x100000xi32, #tpu.memory_space<hbm>> -> memref<8x1xi32, #tpu.memory_space<hbm>>
    %dma_wait3A_348 = arith.constant 0 : i32
    %dma_wait3A_349 = arith.constant 505 : i32
    %dma_wait3A_350 = tpu.memref_slice %arg7[%dma_wait3A_348, %dma_wait3A_349] : memref<8x512xi32, #tpu.memory_space<vmem>> -> memref<8x1xi32, #tpu.memory_space<vmem>>
    %dma_wait3A_351 = arith.constant 0 : i32
    %dma_wait3A_352 = arith.constant 0 : i32
    %dma_wait3A_353 = tpu.memref_slice %arg2[%dma_wait3A_351, %dma_wait3A_352] : memref<8x100000xi32, #tpu.memory_space<hbm>> -> memref<8x1xi32, #tpu.memory_space<hbm>>
    tpu.wait_dma2 semaphore(%arg9 : memref<!tpu.dma_semaphore, #tpu.memory_space<semaphore_mem>>) src(%dma_wait3A_353 : memref<8x1xi32, #tpu.memory_space<hbm>>) dst(%dma_wait3A_350 : memref<8x1xi32, #tpu.memory_space<vmem>>)
    %dma_wait3A_354 = arith.constant 0 : i32
    %dma_wait3A_355 = arith.constant 506 : i32
    %dma_wait3A_356 = tpu.memref_slice %arg7[%dma_wait3A_354, %dma_wait3A_355] : memref<8x512xi32, #tpu.memory_space<vmem>> -> memref<8x1xi32, #tpu.memory_space<vmem>>
    %dma_wait3A_357 = arith.constant 0 : i32
    %dma_wait3A_358 = arith.constant 0 : i32
    %dma_wait3A_359 = tpu.memref_slice %arg2[%dma_wait3A_357, %dma_wait3A_358] : memref<8x100000xi32, #tpu.memory_space<hbm>> -> memref<8x1xi32, #tpu.memory_space<hbm>>
    %dma_wait3A_360 = arith.constant 0 : i32
    %dma_wait3A_361 = arith.constant 506 : i32
    %dma_wait3A_362 = tpu.memref_slice %arg7[%dma_wait3A_360, %dma_wait3A_361] : memref<8x512xi32, #tpu.memory_space<vmem>> -> memref<8x1xi32, #tpu.memory_space<vmem>>
    %dma_wait3A_363 = arith.constant 0 : i32
    %dma_wait3A_364 = arith.constant 0 : i32
    %dma_wait3A_365 = tpu.memref_slice %arg2[%dma_wait3A_363, %dma_wait3A_364] : memref<8x100000xi32, #tpu.memory_space<hbm>> -> memref<8x1xi32, #tpu.memory_space<hbm>>
    tpu.wait_dma2 semaphore(%arg9 : memref<!tpu.dma_semaphore, #tpu.memory_space<semaphore_mem>>) src(%dma_wait3A_365 : memref<8x1xi32, #tpu.memory_space<hbm>>) dst(%dma_wait3A_362 : memref<8x1xi32, #tpu.memory_space<vmem>>)
    %dma_wait3A_366 = arith.constant 0 : i32
    %dma_wait3A_367 = arith.constant 507 : i32
    %dma_wait3A_368 = tpu.memref_slice %arg7[%dma_wait3A_366, %dma_wait3A_367] : memref<8x512xi32, #tpu.memory_space<vmem>> -> memref<8x1xi32, #tpu.memory_space<vmem>>
    %dma_wait3A_369 = arith.constant 0 : i32
    %dma_wait3A_370 = arith.constant 0 : i32
    %dma_wait3A_371 = tpu.memref_slice %arg2[%dma_wait3A_369, %dma_wait3A_370] : memref<8x100000xi32, #tpu.memory_space<hbm>> -> memref<8x1xi32, #tpu.memory_space<hbm>>
    %dma_wait3A_372 = arith.constant 0 : i32
    %dma_wait3A_373 = arith.constant 507 : i32
    %dma_wait3A_374 = tpu.memref_slice %arg7[%dma_wait3A_372, %dma_wait3A_373] : memref<8x512xi32, #tpu.memory_space<vmem>> -> memref<8x1xi32, #tpu.memory_space<vmem>>
    %dma_wait3A_375 = arith.constant 0 : i32
    %dma_wait3A_376 = arith.constant 0 : i32
    %dma_wait3A_377 = tpu.memref_slice %arg2[%dma_wait3A_375, %dma_wait3A_376] : memref<8x100000xi32, #tpu.memory_space<hbm>> -> memref<8x1xi32, #tpu.memory_space<hbm>>
    tpu.wait_dma2 semaphore(%arg9 : memref<!tpu.dma_semaphore, #tpu.memory_space<semaphore_mem>>) src(%dma_wait3A_377 : memref<8x1xi32, #tpu.memory_space<hbm>>) dst(%dma_wait3A_374 : memref<8x1xi32, #tpu.memory_space<vmem>>)
    %dma_wait3A_378 = arith.constant 0 : i32
    %dma_wait3A_379 = arith.constant 508 : i32
    %dma_wait3A_380 = tpu.memref_slice %arg7[%dma_wait3A_378, %dma_wait3A_379] : memref<8x512xi32, #tpu.memory_space<vmem>> -> memref<8x1xi32, #tpu.memory_space<vmem>>
    %dma_wait3A_381 = arith.constant 0 : i32
    %dma_wait3A_382 = arith.constant 0 : i32
    %dma_wait3A_383 = tpu.memref_slice %arg2[%dma_wait3A_381, %dma_wait3A_382] : memref<8x100000xi32, #tpu.memory_space<hbm>> -> memref<8x1xi32, #tpu.memory_space<hbm>>
    %dma_wait3A_384 = arith.constant 0 : i32
    %dma_wait3A_385 = arith.constant 508 : i32
    %dma_wait3A_386 = tpu.memref_slice %arg7[%dma_wait3A_384, %dma_wait3A_385] : memref<8x512xi32, #tpu.memory_space<vmem>> -> memref<8x1xi32, #tpu.memory_space<vmem>>
    %dma_wait3A_387 = arith.constant 0 : i32
    %dma_wait3A_388 = arith.constant 0 : i32
    %dma_wait3A_389 = tpu.memref_slice %arg2[%dma_wait3A_387, %dma_wait3A_388] : memref<8x100000xi32, #tpu.memory_space<hbm>> -> memref<8x1xi32, #tpu.memory_space<hbm>>
    tpu.wait_dma2 semaphore(%arg9 : memref<!tpu.dma_semaphore, #tpu.memory_space<semaphore_mem>>) src(%dma_wait3A_389 : memref<8x1xi32, #tpu.memory_space<hbm>>) dst(%dma_wait3A_386 : memref<8x1xi32, #tpu.memory_space<vmem>>)
    %dma_wait3A_390 = arith.constant 0 : i32
    %dma_wait3A_391 = arith.constant 509 : i32
    %dma_wait3A_392 = tpu.memref_slice %arg7[%dma_wait3A_390, %dma_wait3A_391] : memref<8x512xi32, #tpu.memory_space<vmem>> -> memref<8x1xi32, #tpu.memory_space<vmem>>
    %dma_wait3A_393 = arith.constant 0 : i32
    %dma_wait3A_394 = arith.constant 0 : i32
    %dma_wait3A_395 = tpu.memref_slice %arg2[%dma_wait3A_393, %dma_wait3A_394] : memref<8x100000xi32, #tpu.memory_space<hbm>> -> memref<8x1xi32, #tpu.memory_space<hbm>>
    %dma_wait3A_396 = arith.constant 0 : i32
    %dma_wait3A_397 = arith.constant 509 : i32
    %dma_wait3A_398 = tpu.memref_slice %arg7[%dma_wait3A_396, %dma_wait3A_397] : memref<8x512xi32, #tpu.memory_space<vmem>> -> memref<8x1xi32, #tpu.memory_space<vmem>>
    %dma_wait3A_399 = arith.constant 0 : i32
    %dma_wait3A_400 = arith.constant 0 : i32
    %dma_wait3A_401 = tpu.memref_slice %arg2[%dma_wait3A_399, %dma_wait3A_400] : memref<8x100000xi32, #tpu.memory_space<hbm>> -> memref<8x1xi32, #tpu.memory_space<hbm>>
    tpu.wait_dma2 semaphore(%arg9 : memref<!tpu.dma_semaphore, #tpu.memory_space<semaphore_mem>>) src(%dma_wait3A_401 : memref<8x1xi32, #tpu.memory_space<hbm>>) dst(%dma_wait3A_398 : memref<8x1xi32, #tpu.memory_space<vmem>>)
    %dma_wait3A_402 = arith.constant 0 : i32
    %dma_wait3A_403 = arith.constant 510 : i32
    %dma_wait3A_404 = tpu.memref_slice %arg7[%dma_wait3A_402, %dma_wait3A_403] : memref<8x512xi32, #tpu.memory_space<vmem>> -> memref<8x1xi32, #tpu.memory_space<vmem>>
    %dma_wait3A_405 = arith.constant 0 : i32
    %dma_wait3A_406 = arith.constant 0 : i32
    %dma_wait3A_407 = tpu.memref_slice %arg2[%dma_wait3A_405, %dma_wait3A_406] : memref<8x100000xi32, #tpu.memory_space<hbm>> -> memref<8x1xi32, #tpu.memory_space<hbm>>
    %dma_wait3A_408 = arith.constant 0 : i32
    %dma_wait3A_409 = arith.constant 510 : i32
    %dma_wait3A_410 = tpu.memref_slice %arg7[%dma_wait3A_408, %dma_wait3A_409] : memref<8x512xi32, #tpu.memory_space<vmem>> -> memref<8x1xi32, #tpu.memory_space<vmem>>
    %dma_wait3A_411 = arith.constant 0 : i32
    %dma_wait3A_412 = arith.constant 0 : i32
    %dma_wait3A_413 = tpu.memref_slice %arg2[%dma_wait3A_411, %dma_wait3A_412] : memref<8x100000xi32, #tpu.memory_space<hbm>> -> memref<8x1xi32, #tpu.memory_space<hbm>>
    tpu.wait_dma2 semaphore(%arg9 : memref<!tpu.dma_semaphore, #tpu.memory_space<semaphore_mem>>) src(%dma_wait3A_413 : memref<8x1xi32, #tpu.memory_space<hbm>>) dst(%dma_wait3A_410 : memref<8x1xi32, #tpu.memory_space<vmem>>)
    %dma_wait3A_414 = arith.constant 0 : i32
    %dma_wait3A_415 = arith.constant 511 : i32
    %dma_wait3A_416 = tpu.memref_slice %arg7[%dma_wait3A_414, %dma_wait3A_415] : memref<8x512xi32, #tpu.memory_space<vmem>> -> memref<8x1xi32, #tpu.memory_space<vmem>>
    %dma_wait3A_417 = arith.constant 0 : i32
    %dma_wait3A_418 = arith.constant 0 : i32
    %dma_wait3A_419 = tpu.memref_slice %arg2[%dma_wait3A_417, %dma_wait3A_418] : memref<8x100000xi32, #tpu.memory_space<hbm>> -> memref<8x1xi32, #tpu.memory_space<hbm>>
    %dma_wait3A_420 = arith.constant 0 : i32
    %dma_wait3A_421 = arith.constant 511 : i32
    %dma_wait3A_422 = tpu.memref_slice %arg7[%dma_wait3A_420, %dma_wait3A_421] : memref<8x512xi32, #tpu.memory_space<vmem>> -> memref<8x1xi32, #tpu.memory_space<vmem>>
    %dma_wait3A_423 = arith.constant 0 : i32
    %dma_wait3A_424 = arith.constant 0 : i32
    %dma_wait3A_425 = tpu.memref_slice %arg2[%dma_wait3A_423, %dma_wait3A_424] : memref<8x100000xi32, #tpu.memory_space<hbm>> -> memref<8x1xi32, #tpu.memory_space<hbm>>
    tpu.wait_dma2 semaphore(%arg9 : memref<!tpu.dma_semaphore, #tpu.memory_space<semaphore_mem>>) src(%dma_wait3A_425 : memref<8x1xi32, #tpu.memory_space<hbm>>) dst(%dma_wait3A_422 : memref<8x1xi32, #tpu.memory_space<vmem>>)
    "tpu.region"() ({
      %run_scoped3A = tpu.sem_alloc : memref<!tpu.dma_semaphore, #tpu.memory_space<semaphore_mem>>
      %dma_start3A_426 = arith.constant 0 : i32
      %dma_start3A_427 = tpu.memref_slice %arg4[%dma_start3A_426, %mul3A_2] : memref<8x16384xi32, #tpu.memory_space<hbm>> -> memref<8x512xi32, #tpu.memory_space<hbm>>
      %dma_start3A_428 = arith.constant 0 : i32
      %dma_start3A_429 = tpu.memref_slice %arg4[%dma_start3A_428, %mul3A_2] : memref<8x16384xi32, #tpu.memory_space<hbm>> -> memref<8x512xi32, #tpu.memory_space<hbm>>
      tpu.enqueue_dma source(%arg7 : memref<8x512xi32, #tpu.memory_space<vmem>>) target(%dma_start3A_429 : memref<8x512xi32, #tpu.memory_space<hbm>>) target_semaphore(%run_scoped3A : memref<!tpu.dma_semaphore, #tpu.memory_space<semaphore_mem>>)
      %dma_wait3A_430 = arith.constant 0 : i32
      %dma_wait3A_431 = tpu.memref_slice %arg4[%dma_wait3A_430, %mul3A_2] : memref<8x16384xi32, #tpu.memory_space<hbm>> -> memref<8x512xi32, #tpu.memory_space<hbm>>
      %dma_wait3A_432 = arith.constant 0 : i32
      %dma_wait3A_433 = tpu.memref_slice %arg4[%dma_wait3A_432, %mul3A_2] : memref<8x16384xi32, #tpu.memory_space<hbm>> -> memref<8x512xi32, #tpu.memory_space<hbm>>
      tpu.wait_dma2 semaphore(%run_scoped3A : memref<!tpu.dma_semaphore, #tpu.memory_space<semaphore_mem>>) src(%arg7 : memref<8x512xi32, #tpu.memory_space<vmem>>) dst(%dma_wait3A_433 : memref<8x512xi32, #tpu.memory_space<hbm>>)
      tpu.yield
    }) : () -> ()
    return
  }
}

module attributes {stable_mosaic.version = 14 : i64} {
  func.func @_tc_tail_body(%arg0: memref<1x16384xf32, #tpu.memory_space<vmem>>, %arg1: memref<8x16384xi32, #tpu.memory_space<vmem>>, %arg2: memref<1xf32, #tpu.memory_space<smem>>, %arg3: memref<1xf32, #tpu.memory_space<smem>>, %arg4: memref<8x10xf32, #tpu.memory_space<vmem>>, %arg5: memref<8x10xf32, #tpu.memory_space<vmem>>, %arg6: memref<10x1xf32, #tpu.memory_space<vmem>>, %arg7: memref<10x1xf32, #tpu.memory_space<vmem>>, %arg8: memref<10x16384xf32, #tpu.memory_space<vmem>>) attributes {dimension_semantics = [], scalar_prefetch = 0 : i64, scratch_operands = 0 : i64, tpu.core_type = #tpu.core_type<tc>} {
    %get3A = arith.constant 0 : index
    %get3A_0 = arith.constant 0 : index
    %get3A_1 = vector.load %arg0[%get3A, %get3A_0] : memref<1x16384xf32, #tpu.memory_space<vmem>>, vector<1x16384xf32>
    %reduce_sum3A = vector.shape_cast %get3A_1 : vector<1x16384xf32> to vector<1x1x16384xf32>
    %reduce_sum3A_2 = arith.constant dense<0.000000e+00> : vector<1xf32>
    %reduce_sum3A_3 = vector.multi_reduction <add>, %reduce_sum3A, %reduce_sum3A_2 [1, 2] : vector<1x1x16384xf32> to vector<1xf32>
    %reduce_sum3A_4 = vector.shape_cast %reduce_sum3A_3 : vector<1xf32> to vector<1x1x1xf32>
    %reduce_sum3A_5 = vector.extract %reduce_sum3A_4[0, 0, 0] : f32 from vector<1x1x1xf32>
    %div3A = arith.constant 1.638400e+04 : f32
    %div3A_6 = arith.divf %reduce_sum3A_5, %div3A : f32
    %sub3A = vector.broadcast %div3A_6 : f32 to vector<1x16384xf32>
    %sub3A_7 = arith.subf %get3A_1, %sub3A : vector<1x16384xf32>
    %mul3A = arith.mulf %sub3A_7, %sub3A_7 : vector<1x16384xf32>
    %reduce_sum3A_8 = vector.shape_cast %mul3A : vector<1x16384xf32> to vector<1x1x16384xf32>
    %reduce_sum3A_9 = arith.constant dense<0.000000e+00> : vector<1xf32>
    %reduce_sum3A_10 = vector.multi_reduction <add>, %reduce_sum3A_8, %reduce_sum3A_9 [1, 2] : vector<1x1x16384xf32> to vector<1xf32>
    %reduce_sum3A_11 = vector.shape_cast %reduce_sum3A_10 : vector<1xf32> to vector<1x1x1xf32>
    %reduce_sum3A_12 = vector.extract %reduce_sum3A_11[0, 0, 0] : f32 from vector<1x1x1xf32>
    %div3A_13 = arith.constant 1.638400e+04 : f32
    %div3A_14 = arith.divf %reduce_sum3A_12, %div3A_13 : f32
    %add3A = arith.constant 9.99999974E-6 : f32
    %add3A_15 = arith.addf %div3A_14, %add3A : f32
    %rsqrt3A = math.rsqrt %add3A_15 : f32
    %mul3A_16 = vector.broadcast %rsqrt3A : f32 to vector<1x16384xf32>
    %mul3A_17 = arith.mulf %sub3A_7, %mul3A_16 : vector<1x16384xf32>
    %get3A_18 = arith.constant 0 : index
    %get3A_19 = memref.load %arg2[%get3A_18] : memref<1xf32, #tpu.memory_space<smem>>
    %mul3A_20 = vector.broadcast %get3A_19 : f32 to vector<1x16384xf32>
    %mul3A_21 = arith.mulf %mul3A_17, %mul3A_20 : vector<1x16384xf32>
    %get3A_22 = arith.constant 0 : index
    %get3A_23 = memref.load %arg3[%get3A_22] : memref<1xf32, #tpu.memory_space<smem>>
    %add3A_24 = vector.broadcast %get3A_23 : f32 to vector<1x16384xf32>
    %add3A_25 = arith.addf %mul3A_21, %add3A_24 : vector<1x16384xf32>
    %max3A = arith.constant 0.000000e+00 : f32
    %max3A_26 = vector.broadcast %max3A : f32 to vector<1x16384xf32>
    %max3A_27 = arith.maximumf %add3A_25, %max3A_26 : vector<1x16384xf32>
    %get3A_28 = arith.constant 0 : index
    %get3A_29 = arith.constant 0 : index
    %get3A_30 = vector.load %arg1[%get3A_28, %get3A_29] : memref<8x16384xi32, #tpu.memory_space<vmem>>, vector<8x16384xi32>
    %shift_left3A = arith.constant 16 : i32
    %shift_left3A_31 = vector.broadcast %shift_left3A : i32 to vector<8x16384xi32>
    %shift_left3A_32 = arith.shli %get3A_30, %shift_left3A_31 : vector<8x16384xi32>
    %bitcast_convert_type3A = tpu.bitcast %shift_left3A_32 : vector<8x16384xi32> -> vector<8x16384xf32>
    %and3A = arith.constant -65536 : i32
    %and3A_33 = vector.broadcast %and3A : i32 to vector<8x16384xi32>
    %and3A_34 = arith.andi %get3A_30, %and3A_33 : vector<8x16384xi32>
    %bitcast_convert_type3A_35 = tpu.bitcast %and3A_34 : vector<8x16384xi32> -> vector<8x16384xf32>
    %max3A_36 = arith.constant 0.000000e+00 : f32
    %max3A_37 = vector.broadcast %max3A_36 : f32 to vector<8x16384xf32>
    %max3A_38 = arith.maximumf %bitcast_convert_type3A, %max3A_37 : vector<8x16384xf32>
    %max3A_39 = arith.constant 0.000000e+00 : f32
    %max3A_40 = vector.broadcast %max3A_39 : f32 to vector<8x16384xf32>
    %max3A_41 = arith.maximumf %bitcast_convert_type3A_35, %max3A_40 : vector<8x16384xf32>
    %get3A_42 = arith.constant 0 : index
    %get3A_43 = arith.constant 0 : index
    %get3A_44 = vector.load %arg4[%get3A_42, %get3A_43] : memref<8x10xf32, #tpu.memory_space<vmem>>, vector<8x10xf32>
    %dot_general3A = arith.constant dense<0.000000e+00> : vector<10x16384xf32>
    %dot_general3A_45 = tpu.matmul %get3A_44, %max3A_38, %dot_general3A {dimension_numbers = #tpu.dot_dimension_numbers<[0], [0], [1], [1], [0, 1, 1, 1], [], []>, transpose_lhs_hint = false} : vector<8x10xf32>, vector<8x16384xf32>, vector<10x16384xf32> -> vector<10x16384xf32>
    %get3A_46 = arith.constant 0 : index
    %get3A_47 = arith.constant 0 : index
    %get3A_48 = vector.load %arg5[%get3A_46, %get3A_47] : memref<8x10xf32, #tpu.memory_space<vmem>>, vector<8x10xf32>
    %dot_general3A_49 = arith.constant dense<0.000000e+00> : vector<10x16384xf32>
    %dot_general3A_50 = tpu.matmul %get3A_48, %max3A_41, %dot_general3A_49 {dimension_numbers = #tpu.dot_dimension_numbers<[0], [0], [1], [1], [0, 1, 1, 1], [], []>, transpose_lhs_hint = false} : vector<8x10xf32>, vector<8x16384xf32>, vector<10x16384xf32> -> vector<10x16384xf32>
    %add3A_51 = arith.addf %dot_general3A_45, %dot_general3A_50 : vector<10x16384xf32>
    %get3A_52 = arith.constant 0 : index
    %get3A_53 = arith.constant 0 : index
    %get3A_54 = vector.load %arg6[%get3A_52, %get3A_53] : memref<10x1xf32, #tpu.memory_space<vmem>>, vector<10x1xf32>
    %mul3A_55 = vector.broadcast %get3A_54 : vector<10x1xf32> to vector<10x16384xf32>
    %mul3A_56 = vector.broadcast %max3A_27 : vector<1x16384xf32> to vector<10x16384xf32>
    %mul3A_57 = arith.mulf %mul3A_55, %mul3A_56 : vector<10x16384xf32>
    %add3A_58 = arith.addf %add3A_51, %mul3A_57 : vector<10x16384xf32>
    %get3A_59 = arith.constant 0 : index
    %get3A_60 = arith.constant 0 : index
    %get3A_61 = vector.load %arg7[%get3A_59, %get3A_60] : memref<10x1xf32, #tpu.memory_space<vmem>>, vector<10x1xf32>
    %add3A_62 = vector.broadcast %get3A_61 : vector<10x1xf32> to vector<10x16384xf32>
    %add3A_63 = arith.addf %add3A_58, %add3A_62 : vector<10x16384xf32>
    %swap3A = arith.constant 0 : index
    %swap3A_64 = arith.constant 0 : index
    %swap3A_65 = vector.load %arg8[%swap3A, %swap3A_64] : memref<10x16384xf32, #tpu.memory_space<vmem>>, vector<10x16384xf32>
    tpu.vector_store %arg8[%swap3A, %swap3A_64], %add3A_63 {strides = array<i32>} : memref<10x16384xf32, #tpu.memory_space<vmem>>, vector<10x16384xf32>,
    return
  }
}

</mosaic_0001>

<sc_bundles>
// kernel: kernel.4.cloned.1.call-start
scs
__scs_entry_jumppad:
0x0: {  	(pc) =	sbr.rel $0x88, $3  }
0x1: {  	(tag) =	ssettag $0x0;
	lr =	simm.s32 $0x1  }
0x2: {  	[smem:$0x3F9A] =	sst lr;
	_ =	strace $0xD0000000  }
0x3: {  	_ = 	snop  }
0x4: {  	_ = 	snop  }
0x5: {  	_ = 	snop  }
0x6: {  	_ = 	snop  }
0x7: {  	_ = 	snop  }
__scs_overlays_trampoline_lowered:
0x8: {  	[smem:$0x3FA9] =	sst s0  }
0x9: {  	[smem:$0x3FAA] =	sst s1  }
0xa: {  	[smem:$0x3FAB] =	sst s2  }
0xb: {  	[smem:$0x3FAC] =	sst s3  }
0xc: {  	[smem:$0x3FAD] =	sst s4  }
0xd: {  	[smem:$0x3FAE] =	sst s5  }
0xe: {  	[smem:$0x3FAF] =	sst s6  }
0xf: {  	[smem:$0x3FB0] =	sst s7  }
0x10: {  	[smem:$0x3FB1] =	sst s8  }
0x11: {  	[smem:$0x3FB2] =	sst s9;
	s0 =	simm.s32 @!p0 $0x0  }
0x12: {  	s1 =	sld [smem:$0x3F98];
	s0 =	simm.s32 @p0 $0x1  }
0x13: {  	[smem:$0x3FB3] =	sst s0;
	s0 =	simm.s32 @!p1 $0x0  }
0x14: {  	s2 =	sld [smem:$0x3F97];
	s0 =	simm.s32 @p1 $0x1  }
0x15: {  	[smem:$0x3FB4] =	sst s0;
	s0 =	simm.s32 @!p2 $0x0  }
0x16: {  	s3 =	sld [smem:$0x3FDB];
	s0 =	simm.s32 @p2 $0x1  }
0x17: {  	s4 =	simm.s32 $0x1BF5;
	[smem:$0x3FB6] =	sst s0  }
0x18: {  	s0 =	sld [smem:$0x3F99];
	_ =	swait.ge [sflag:s4], $0x0  }
0x19: {  	s7 =	sld [smem:$0x3F9A]  }
0x1a: {  	s8 =	sadd.s32 $0xFFFFE003, lr  }
0x1b: {  	s9 =	sadd.s32 $0xFFFFFEF7, lr;
	s5 =	simm.s32 $0xFFFFFFFF;
	p2 =	slt.u32 s8, $0xFFFFF086  }
0x1c: {  	p1 =	slt.u32 s9, $0xF7A;
	s5 =	simm.s32 @!p2 $0x0  }
0x1d: {  	s5 =	simm.s32 @p1 $0x1;
	p0 =	seq.s32 s7, s2  }
0x1e: {  	s7 =	smul.u32 @!p0 $0xF7A, s2;
	p2 =	seq.s32 @!p0 s5, $0x0  }
0x1f: {  	s9 =	smul.u32 $0xF7A, s1;
	s8 =	simm.s32 @!p0 $0x1BF5;
	p2 =	por !p2, p0  }
0x20: {  	[sflag:s8] =	ssyncset.s32 @!p0 $0xFFFFF086;
	s6 =	sadd.s32 @!p0 s3, s7;
	s7 =	simm.s32 @!p0 $0x108  }
0x21: {  	s3 =	sadd.s32 s3, s9;
	s6 =	sadd.s32 @!p0 $0x88, s6;
	s7 =	simm.s32 @p2 $0x1082  }
0x22: {  	[simem:s7], [sflag:s8] =	dma.local @!p0 [hbm:s6], $0xF7A  }
0x23: {  	s9 =	sor.u32 $0xD0000000, s2;
	s6 =	simm.s32 $0x108;
	_ =	swait.ge @!p0 [sflag:s8], $0x0  }
0x24: {  	s3 =	sadd.s32 $0x88, s3;
	s6 =	simm.s32 @!p1 $0x1082;
	[sflag:s4] =	ssyncset.s32 $0xFFFFF086  }
0x25: {  	[simem:s6], [sflag:s4] =	dma.local [hbm:s3], $0xF7A  }
0x26: {  	[smem:$0x3F9A] =	sst s1;
	(tag) =	ssettag s2;
	_ =	strace s9  }
0x27: {  	s1 =	sld [smem:$0x3FAA]  }
0x28: {  	s2 =	sld [smem:$0x3FAB]  }
0x29: {  	s4 =	sld [smem:$0x3FAD]  }
0x2a: {  	p0 =	seq.s32 s5, $0x0;
	s5 =	sld [smem:$0x3FAE]  }
0x2b: {  	s6 =	sld [smem:$0x3FAF]  }
0x2c: {  	s7 =	sld [smem:$0x3FB0]  }
0x2d: {  	s3 =	simm.s32 $0x108;
	s8 =	sld [smem:$0x3FB1]  }
0x2e: {  	s3 =	simm.s32 @!p0 $0x1082;
	s9 =	sld [smem:$0x3FB2]  }
0x2f: {  	lr =	sadd.s32 s0, s3;
	s0 =	sld [smem:$0x3FA9]  }
0x30: {  	s3 =	sld [smem:$0x3FAC]  }
0x31: {  	[smem:$0x3FB5] =	sst s10  }
0x32: {  	s10 =	sld [smem:$0x3FB3];
	_ =	sdelay $0x3  }
0x33: {  	p0 =	seq.s32 s10, $0x1;
	s10 =	sld [smem:$0x3FB5];
	_ =	sdelay $0x3  }
0x34: {  	[smem:$0x3FB5] =	sst s10  }
0x35: {  	s10 =	sld [smem:$0x3FB4];
	_ =	sdelay $0x3  }
0x36: {  	p1 =	seq.s32 s10, $0x1;
	s10 =	sld [smem:$0x3FB5];
	_ =	sdelay $0x3  }
0x37: {  	[smem:$0x3FB5] =	sst s10  }
0x38: {  	s10 =	sld [smem:$0x3FB6]  }
0x39: {  	_ = 	snop;
	(pc) =	sbr.ind lr, $3  }
0x3a: {  	_ = 	snop  }
0x3b: {  	_ = 	snop  }
0x3c: {  	p2 =	seq.s32 s10, $0x1;
	s10 =	sld [smem:$0x3FB5]  }
0x3d: {  	_ =	shalt  }
0x3e: {  	_ =	shalt  }
0x3f: {  	_ =	shalt  }
0x40: {  	_ =	shalt  }
0x41: {  	_ =	shalt  }
0x42: {  	_ =	shalt  }
0x43: {  	_ =	shalt  }
0x44: {  	_ =	shalt  }
0x45: {  	_ =	shalt  }
0x46: {  	_ =	shalt  }
0x47: {  	_ =	shalt  }
0x48: {  	_ =	shalt  }
0x49: {  	_ =	shalt  }
0x4a: {  	_ =	shalt  }
0x4b: {  	_ =	shalt  }
0x4c: {  	_ =	shalt  }
0x4d: {  	_ =	shalt  }
0x4e: {  	_ =	shalt  }
0x4f: {  	_ =	shalt  }
0x50: {  	_ =	shalt  }
0x51: {  	_ =	shalt  }
0x52: {  	_ =	shalt  }
0x53: {  	_ =	shalt  }
0x54: {  	_ =	shalt  }
0x55: {  	_ =	shalt  }
0x56: {  	_ =	shalt  }
0x57: {  	_ =	shalt  }
0x58: {  	_ =	shalt  }
0x59: {  	_ =	shalt  }
0x5a: {  	_ =	shalt  }
0x5b: {  	_ =	shalt  }
0x5c: {  	_ =	shalt  }
0x5d: {  	_ =	shalt  }
0x5e: {  	_ =	shalt  }
0x5f: {  	_ =	shalt  }
0x60: {  	_ =	shalt  }
0x61: {  	_ =	shalt  }
0x62: {  	_ =	shalt  }
0x63: {  	_ =	shalt  }
0x64: {  	_ =	shalt  }
0x65: {  	_ =	shalt  }
0x66: {  	_ =	shalt  }
0x67: {  	_ =	shalt  }
0x68: {  	_ =	shalt  }
0x69: {  	_ =	shalt  }
0x6a: {  	_ =	shalt  }
0x6b: {  	_ =	shalt  }
0x6c: {  	_ =	shalt  }
0x6d: {  	_ =	shalt  }
0x6e: {  	_ =	shalt  }
0x6f: {  	_ =	shalt  }
0x70: {  	_ =	shalt  }
0x71: {  	_ =	shalt  }
0x72: {  	_ =	shalt  }
0x73: {  	_ =	shalt  }
0x74: {  	_ =	shalt  }
0x75: {  	_ =	shalt  }
0x76: {  	_ =	shalt  }
0x77: {  	_ =	shalt  }
0x78: {  	_ =	shalt  }
0x79: {  	_ =	shalt  }
0x7a: {  	_ =	shalt  }
0x7b: {  	_ =	shalt  }
0x7c: {  	_ =	shalt  }
0x7d: {  	_ =	shalt  }
0x7e: {  	_ =	shalt  }
0x7f: {  	_ =	shalt  }
0x80: {  	_ =	shalt  }
0x81: {  	_ =	shalt  }
0x82: {  	_ =	shalt  }
0x83: {  	_ =	shalt  }
0x84: {  	_ =	shalt  }
0x85: {  	_ =	shalt  }
0x86: {  	_ =	shalt  }
0x87: {  	_ =	shalt  }
.Lfunc_end0:
.L_simem_size_0:
called_computation_lowered:
.L_overlay_start_0:
0x88: {  	s2 =	sld [smem:$0x3FD9]  }
0x89: {  	s3 =	sld [smem:$0x3FFE];
	_ =	sdelay $0x1  }
0x8a: {  	s1 =	srdreg.scid  }
0x8b: {  	s0 =	sand.u32 $0x1, s1  }
0x8c: {  	s17 =	sshll.u32 s0, $0xA;
	s2 =	sadd.s32 s3, s2  }
0x8d: {  	s2 =	sadd.s32 s2, s17  }
0x8e: {  	[smem:$0x3FC1] =	sst s2  }
0x8f: {  	_ = 	snop  }
0x90: {  	s2 =	sld [smem:$0x3FC9]  }
0x91: {  	s18 =	sld [smem:$0x3FD0];
	(tm) =	ssettm $0x1  }
0x92: {  	s4 =	sld [smem:$0x3FFB];
	_ =	sdelay $0x3  }
0x93: {  	_ =	strace s4  }
0x94: {  	s4 =	sld [smem:$0x3FFC];
	_ =	sdelay $0x3  }
0x95: {  	_ =	strace s4  }
0x96: {  	s4 =	sld [smem:$0x3FFD];
	_ =	sdelay $0x3  }
0x97: {  	_ =	strace s4  }
0x98: {  	_ =	strace $0x8FFFFFFF  }
0x99: {  	s19 =	sld [smem:$0x3FDB];
	_ =	sdelay $0x1  }
0x9a: {  	s5 =	simm.s32 $_scs_section_size  }
0x9b: {  	s6 =	simm.s32 $_size__tile_overlayer_lowered;
	s7 =	simm.s32 $_tile_overlayer_lowered  }
0x9c: {  	s22 =	simm.s32 $0x1BFF;
	s21 =	sshll.u32 s7, $0x1;
	s4 =	sadd.s32 s5, s19  }
0x9d: {  	s8 =	simm.s32 $0x0;
	s20 =	sshll.u32 s6, $0x1;
	s6 =	sadd.s32 s21, s4  }
0x9e: {  	[timem:s8], [sflag:s22] =	dma.local [hbm:s6], s20  }
0x9f: {  	_ =	swait.ge [sflag:s22], s20  }
0xa0: {  	s5 =	ssub.s32 $0x0, s20;
	[sflag:s22] =	ssyncset.done $0x0  }
0xa1: {  	[sflag:s22] =	ssyncadd.s32 s5;
	_ =	sdelay $0x1  }
0xa2: {  	s23 =	simm.s32 $0x1B8B  }
0xa3: {  	_ =	swait.ge [sflag:s23], $0x1  }
0xa4: {  	[sflag:s23] =	ssyncset.done $0x0  }
0xa5: {  	s25 =	simm.s32 $0x1B8E;
	s24 =	sld [smem:$0x3FFE];
	[sflag:s23] =	ssyncadd.s32 $0xFFFFFFFF  }
0xa6: {  	s26 =	simm.s32 $execute0_lowered;
	[smem:$0x3FD2] =	sst s25  }
0xa7: {  	s6 =	sshll.u32 s26, $0x1;
	_ =	strace $0x80000046;
	[dreg:$0x1] =	wrdreg $0xFFFFFFFF  }
0xa8: {  	s28 =	simm.s32 $_size_execute0_lowered;
	s4 =	sadd.s32 s4, s6;
	[dreg:$0x0] =	wrdreg $0x0  }
0xa9: {  	s6 =	sshll.u32 s28, $0x1;
	[dreg:$0x2] =	wrdreg s4  }
0xaa: {  	[dreg:$0x3] =	wrdreg s6  }
0xab: {  	[dreg:$0x4] =	wrdreg $0xC0  }
0xac: {  	_ =	task [dreg:s8], $0x5FFFF  }
0xad: {  	[dreg:$0x1] =	wrdreg $0xFFFFFFFF  }
0xae: {  	[dreg:$0x0] =	wrdreg $0x60  }
0xaf: {  	[dreg:$0x2] =	wrdreg s24  }
0xb0: {  	[dreg:$0x3] =	wrdreg s2  }
0xb1: {  	[dreg:$0x4] =	wrdreg s18  }
0xb2: {  	[dreg:$0x5] =	wrdreg $0x0  }
0xb3: {  	[dreg:$0x6] =	wrdreg $0x9  }
0xb4: {  	_ =	task.clear_ibuf [dreg:s8], $0x7FFFF;
	_ =	strace $0x90000046  }
0xb5: {  	s29 =	simm.s32 $0x9;
	_ =	strace $0x80000048  }
0xb6: {  	_ =	swait.ge [sflag:s29], $0x1  }
0xb7: {  	[sflag:s29] =	ssyncadd.s32 $0xFFFFFFFF  }
0xb8: {  	_ =	strace $0x90000048  }
0xb9: {  	_ =	sfence  }
0xba: {  	s30 =	sld [smem:$0x0];
	_ =	sdelay $0x2  }
0xbb: {  	s31 =	sshll.u32 s1, $0xD;
	s1 =	sshrl.u32 s1, $0x2  }
0xbc: {  	s3 =	sand.u32 $0x4000, s31;
	s1 =	sadd.s32 s1, s30  }
0xbd: {  	s0 =	sor.u32 s3, s0;
	s1 =	sshll.u32 s1, $0x11  }
0xbe: {  	s0 =	sor.u32 s1, s0  }
0xbf: {  	s0 =	sadd.s32 $0x8F2B, s0  }
0xc0: {  	[sflag:s0] =	ssyncadd.remote.s32 $0x1  }
0xc1: {  	_ =	sfence.sel $0xFFFF  }
0xc2: {  	[dreg:$0x0] =	wrdreg $0xFFFFFFFF;
	(pc) =	sbr.abs _section_cstart, $3  }
0xc3: {  	[dreg:$0x1] =	wrdreg $0xFFFFFFFF  }
0xc4: {  	_ =	task.clear_ibuf [dreg:s8], $0x2FFFF;
	_ =	strace $0x9FFFFFFF  }
0xc5: {  	(tm) =	ssettm $0x7FFFFFFF  }
tec
execute0_lowered:
.L_overlay_start_1:
0x0: {  	(tag) =	ssettag $0x1  }
0x1: {  	s5 =	rddreg [dreg:$0x0]  }
0x2: {  	s7 =	rddreg [dreg:$0x1]  }
0x3: {  	s8 =	rddreg [dreg:$0x2]  }
0x4: {  	s2 =	rddreg [dreg:$0x3]  }
0x5: {  	s0 =	rddreg [dreg:$0x4];
	s3 =	simm.s32 $0x0  }
0x6: {  	s1 =	stileid.u32;
	s9 =	srdreg.scid;
	s14 =	simm.s32 $0x200  }
0x7: {  	s15 =	simm.s32 $0x4000;
	s16 =	simm.s32 $0xC550;
	s17 =	simm.s32 $0x0  }
0x8: {  	[smem:$0x7FF] =	sst s3;
	s4 =	sshrl.u32 s1, $0x1;
	s6 =	sand.u32 $0x1, s1  }
0x9: {  	s9 =	sand.u32 $0x1, s9;
	s13 =	sshll.u32 s1, $0x7;
	s31 =	sshll.u32 s1, $0x6  }
0xa: {  	s4 =	smul.u32 $0x186A0, s4;
	p0 =	seq.s32 s6, $0x1;
	s6 =	simm.s32 $0xC350  }
0xb: {  	_ =	strace $0x80000047;
	s11 =	ssub.s32 $0x2, s9;
	s9 =	sshll.u32 s9, $0x6  }
0xc: {  	s6 =	simm.s32 @!p0 $0x0;
	s12 =	sshrl.u32 s11, $0x1;
	s9 =	sor.u32 s9, s13  }
0xd: {  	s13 =	simm.s32 $0x2;
	s6 =	sadd.s32 s6, s4;
	s4 =	simm.s32 $0xC350  }
0xe: {  	s29 =	ssub.s32 s11, s12;
	s7 =	sadd.s32 s7, s9;
	s8 =	sadd.s32 s8, s9  }
0xf: {  	s11 =	simm.s32 $0x3;
	s12 =	simm.s32 $0x1;
	s10 =	sshrl.u32 s6, $0x3  }
0x10: {  	s30 =	sadd.s32 s6, s2;
	s6 =	sor.u32 $0x1C01, s31;
	s5 =	sadd.s32 s10, s5  }
0x11: {  	s9 =	smax.u32 s29, $0x1;
	s10 =	sshrl.u32 s30, $0x3;
	s5 =	sadd.s32 $0xC00, s5  }
.LBB2_1:
0x12: {  	[spmem:s10], [sflag:s6] =	dma.local [hbm:s5], $0x186A  }
0x13: {  	[tilespmem:s4], [sflag:$0x3] =	stream.linear.gather [hbm4b:s7+s3], $0x200, $0x38;
	[tilespmem:$0xD550] =	vst v63  }
0x14: {  	_ =	swait.ge [sflag:s11], $0x200  }
0x15: {  	[sflag:s11] =	ssyncset.done $0x0  }
0x16: {  	[sflag:s11] =	ssyncadd.s32 $0xFFFFFE00  }
0x17: {  	_ =	swait.ge [sflag:s12], $0x186A  }
0x18: {  	[sflag:s12] =	ssyncset.done $0x0  }
0x19: {  	[sflag:s12] =	ssyncadd.s32 $0xFFFFE796  }
0x1a: {  	s18 =	simm.s32 $0x0;
	[bflag:$0x0] =	sbarrier.arrive $0xFFFF  }
0x1b: {  	v0 =	vld [tilespmem:s18+$0xC350];
	_ =	sdelay $0x4  }
0x1c: {  	v0 =	vadd.s32 s2, v0  }
0x1d: {  	(v2sf) =	vpush v0, $0x0;
	_ =	sdelay $0xe  }
0x1e: {  	s28 =	simm.s32 $0xC550;
	s19 =	spop (v2sf)  }
0x1f: {  	(v2sf) =	vpush v0, $0x1;
	[tilespmem:s28], [sflag:$0x2] =	stream.linear.gather [spmem:s19], $0x1, $0x38;
	[tilespmem:$0xD550] =	vst v63  }
0x20: {  	s20 =	simm.s32 $0xC750;
	s29 =	sadd.s32 $0x186A0, s19  }
0x21: {  	[tilespmem:s20], [sflag:$0x2] =	stream.linear.gather [spmem:s29], $0x1, $0x38;
	[tilespmem:$0xD550] =	vst v63  }
0x22: {  	s31 =	simm.s32 $0xC950;
	s30 =	sadd.s32 $0x30D40, s19  }
0x23: {  	[tilespmem:s31], [sflag:$0x2] =	stream.linear.gather [spmem:s30], $0x1, $0x38;
	[tilespmem:$0xD550] =	vst v63  }
0x24: {  	s22 =	simm.s32 $0xCB50;
	s21 =	sadd.s32 $0x493E0, s19  }
0x25: {  	[tilespmem:s22], [sflag:$0x2] =	stream.linear.gather [spmem:s21], $0x1, $0x38;
	[tilespmem:$0xD550] =	vst v63  }
0x26: {  	s24 =	simm.s32 $0xCD50;
	s23 =	sadd.s32 $0x61A80, s19  }
0x27: {  	[tilespmem:s24], [sflag:$0x2] =	stream.linear.gather [spmem:s23], $0x1, $0x38;
	[tilespmem:$0xD550] =	vst v63  }
0x28: {  	s26 =	simm.s32 $0xCF50;
	s25 =	sadd.s32 $0x7A120, s19  }
0x29: {  	[tilespmem:s26], [sflag:$0x2] =	stream.linear.gather [spmem:s25], $0x1, $0x38;
	[tilespmem:$0xD550] =	vst v63  }
0x2a: {  	s28 =	sadd.s32 $0x927C0, s19;
	s29 =	simm.s32 $0xD150  }
0x2b: {  	[tilespmem:s29], [sflag:$0x2] =	stream.linear.gather [spmem:s28], $0x1, $0x38;
	[tilespmem:$0xD550] =	vst v63  }
0x2c: {  	s30 =	sadd.s32 $0xAAE60, s19;
	s31 =	simm.s32 $0xD350  }
0x2d: {  	[tilespmem:s31], [sflag:$0x2] =	stream.linear.gather [spmem:s30], $0x1, $0x38;
	[tilespmem:$0xD550] =	vst v63  }
0x2e: {  	s20 =	simm.s32 $0xC551;
	s19 =	spop (v2sf)  }
0x2f: {  	(v2sf) =	vpush v0, $0x2;
	[tilespmem:s20], [sflag:$0x2] =	stream.linear.gather [spmem:s19], $0x1, $0x38;
	[tilespmem:$0xD550] =	vst v63  }
0x30: {  	s22 =	simm.s32 $0xC751;
	s21 =	sadd.s32 $0x186A0, s19  }
0x31: {  	[tilespmem:s22], [sflag:$0x2] =	stream.linear.gather [spmem:s21], $0x1, $0x38;
	[tilespmem:$0xD550] =	vst v63  }
0x32: {  	s24 =	simm.s32 $0xC951;
	s23 =	sadd.s32 $0x30D40, s19  }
0x33: {  	[tilespmem:s24], [sflag:$0x2] =	stream.linear.gather [spmem:s23], $0x1, $0x38;
	[tilespmem:$0xD550] =	vst v63  }
0x34: {  	s26 =	simm.s32 $0xCB51;
	s25 =	sadd.s32 $0x493E0, s19  }
0x35: {  	[tilespmem:s26], [sflag:$0x2] =	stream.linear.gather [spmem:s25], $0x1, $0x38;
	[tilespmem:$0xD550] =	vst v63  }
0x36: {  	s29 =	simm.s32 $0xCD51;
	s28 =	sadd.s32 $0x61A80, s19  }
0x37: {  	[tilespmem:s29], [sflag:$0x2] =	stream.linear.gather [spmem:s28], $0x1, $0x38;
	[tilespmem:$0xD550] =	vst v63  }
0x38: {  	s31 =	simm.s32 $0xCF51;
	s30 =	sadd.s32 $0x7A120, s19  }
0x39: {  	[tilespmem:s31], [sflag:$0x2] =	stream.linear.gather [spmem:s30], $0x1, $0x38;
	[tilespmem:$0xD550] =	vst v63  }
0x3a: {  	s20 =	sadd.s32 $0x927C0, s19;
	s21 =	simm.s32 $0xD151  }
0x3b: {  	[tilespmem:s21], [sflag:$0x2] =	stream.linear.gather [spmem:s20], $0x1, $0x38;
	[tilespmem:$0xD550] =	vst v63  }
0x3c: {  	s22 =	sadd.s32 $0xAAE60, s19;
	s23 =	simm.s32 $0xD351  }
0x3d: {  	[tilespmem:s23], [sflag:$0x2] =	stream.linear.gather [spmem:s22], $0x1, $0x38;
	[tilespmem:$0xD550] =	vst v63  }
0x3e: {  	s24 =	simm.s32 $0xC552;
	s19 =	spop (v2sf)  }
0x3f: {  	(v2sf) =	vpush v0, $0x3;
	[tilespmem:s24], [sflag:$0x2] =	stream.linear.gather [spmem:s19], $0x1, $0x38;
	[tilespmem:$0xD550] =	vst v63  }
0x40: {  	s26 =	simm.s32 $0xC752;
	s25 =	sadd.s32 $0x186A0, s19  }
0x41: {  	[tilespmem:s26], [sflag:$0x2] =	stream.linear.gather [spmem:s25], $0x1, $0x38;
	[tilespmem:$0xD550] =	vst v63  }
0x42: {  	s29 =	simm.s32 $0xC952;
	s28 =	sadd.s32 $0x30D40, s19  }
0x43: {  	[tilespmem:s29], [sflag:$0x2] =	stream.linear.gather [spmem:s28], $0x1, $0x38;
	[tilespmem:$0xD550] =	vst v63  }
0x44: {  	s31 =	simm.s32 $0xCB52;
	s30 =	sadd.s32 $0x493E0, s19  }
0x45: {  	[tilespmem:s31], [sflag:$0x2] =	stream.linear.gather [spmem:s30], $0x1, $0x38;
	[tilespmem:$0xD550] =	vst v63  }
0x46: {  	s21 =	simm.s32 $0xCD52;
	s20 =	sadd.s32 $0x61A80, s19  }
0x47: {  	[tilespmem:s21], [sflag:$0x2] =	stream.linear.gather [spmem:s20], $0x1, $0x38;
	[tilespmem:$0xD550] =	vst v63  }
0x48: {  	s22 =	sadd.s32 $0x7A120, s19;
	s23 =	simm.s32 $0xCF52  }
0x49: {  	[tilespmem:s23], [sflag:$0x2] =	stream.linear.gather [spmem:s22], $0x1, $0x38;
	[tilespmem:$0xD550] =	vst v63  }
0x4a: {  	s24 =	sadd.s32 $0x927C0, s19;
	s25 =	simm.s32 $0xD152  }
0x4b: {  	[tilespmem:s25], [sflag:$0x2] =	stream.linear.gather [spmem:s24], $0x1, $0x38;
	[tilespmem:$0xD550] =	vst v63  }
0x4c: {  	s26 =	sadd.s32 $0xAAE60, s19;
	s28 =	simm.s32 $0xD352  }
0x4d: {  	[tilespmem:s28], [sflag:$0x2] =	stream.linear.gather [spmem:s26], $0x1, $0x38;
	[tilespmem:$0xD550] =	vst v63  }
0x4e: {  	s29 =	simm.s32 $0xC553;
	s19 =	spop (v2sf)  }
0x4f: {  	(v2sf) =	vpush v0, $0x4;
	[tilespmem:s29], [sflag:$0x2] =	stream.linear.gather [spmem:s19], $0x1, $0x38;
	[tilespmem:$0xD550] =	vst v63  }
0x50: {  	s31 =	simm.s32 $0xC753;
	s30 =	sadd.s32 $0x186A0, s19  }
0x51: {  	[tilespmem:s31], [sflag:$0x2] =	stream.linear.gather [spmem:s30], $0x1, $0x38;
	[tilespmem:$0xD550] =	vst v63  }
0x52: {  	s22 =	simm.s32 $0xC953;
	s21 =	sadd.s32 $0x30D40, s19  }
0x53: {  	[tilespmem:s22], [sflag:$0x2] =	stream.linear.gather [spmem:s21], $0x1, $0x38;
	[tilespmem:$0xD550] =	vst v63  }
0x54: {  	s24 =	simm.s32 $0xCB53;
	s23 =	sadd.s32 $0x493E0, s19  }
0x55: {  	[tilespmem:s24], [sflag:$0x2] =	stream.linear.gather [spmem:s23], $0x1, $0x38;
	[tilespmem:$0xD550] =	vst v63  }
0x56: {  	s25 =	sadd.s32 $0x61A80, s19;
	s26 =	simm.s32 $0xCD53  }
0x57: {  	[tilespmem:s26], [sflag:$0x2] =	stream.linear.gather [spmem:s25], $0x1, $0x38;
	[tilespmem:$0xD550] =	vst v63  }
0x58: {  	s28 =	sadd.s32 $0x7A120, s19;
	s29 =	simm.s32 $0xCF53  }
0x59: {  	[tilespmem:s29], [sflag:$0x2] =	stream.linear.gather [spmem:s28], $0x1, $0x38;
	[tilespmem:$0xD550] =	vst v63  }
0x5a: {  	s30 =	sadd.s32 $0x927C0, s19;
	s31 =	simm.s32 $0xD153  }
0x5b: {  	[tilespmem:s31], [sflag:$0x2] =	stream.linear.gather [spmem:s30], $0x1, $0x38;
	[tilespmem:$0xD550] =	vst v63  }
0x5c: {  	s20 =	sadd.s32 $0xAAE60, s19;
	s21 =	simm.s32 $0xD353  }
0x5d: {  	[tilespmem:s21], [sflag:$0x2] =	stream.linear.gather [spmem:s20], $0x1, $0x38;
	[tilespmem:$0xD550] =	vst v63  }
0x5e: {  	s22 =	simm.s32 $0xC554;
	s19 =	spop (v2sf)  }
0x5f: {  	(v2sf) =	vpush v0, $0x5;
	[tilespmem:s22], [sflag:$0x2] =	stream.linear.gather [spmem:s19], $0x1, $0x38;
	[tilespmem:$0xD550] =	vst v63  }
0x60: {  	s24 =	simm.s32 $0xC754;
	s23 =	sadd.s32 $0x186A0, s19  }
0x61: {  	[tilespmem:s24], [sflag:$0x2] =	stream.linear.gather [spmem:s23], $0x1, $0x38;
	[tilespmem:$0xD550] =	vst v63  }
0x62: {  	s26 =	simm.s32 $0xC954;
	s25 =	sadd.s32 $0x30D40, s19  }
0x63: {  	[tilespmem:s26], [sflag:$0x2] =	stream.linear.gather [spmem:s25], $0x1, $0x38;
	[tilespmem:$0xD550] =	vst v63  }
0x64: {  	s29 =	simm.s32 $0xCB54;
	s28 =	sadd.s32 $0x493E0, s19  }
0x65: {  	[tilespmem:s29], [sflag:$0x2] =	stream.linear.gather [spmem:s28], $0x1, $0x38;
	[tilespmem:$0xD550] =	vst v63  }
0x66: {  	s30 =	sadd.s32 $0x61A80, s19;
	s31 =	simm.s32 $0xCD54  }
0x67: {  	[tilespmem:s31], [sflag:$0x2] =	stream.linear.gather [spmem:s30], $0x1, $0x38;
	[tilespmem:$0xD550] =	vst v63  }
0x68: {  	s20 =	sadd.s32 $0x7A120, s19;
	s21 =	simm.s32 $0xCF54  }
0x69: {  	[tilespmem:s21], [sflag:$0x2] =	stream.linear.gather [spmem:s20], $0x1, $0x38;
	[tilespmem:$0xD550] =	vst v63  }
0x6a: {  	s22 =	sadd.s32 $0x927C0, s19;
	s23 =	simm.s32 $0xD154  }
0x6b: {  	[tilespmem:s23], [sflag:$0x2] =	stream.linear.gather [spmem:s22], $0x1, $0x38;
	[tilespmem:$0xD550] =	vst v63  }
0x6c: {  	s24 =	sadd.s32 $0xAAE60, s19;
	s25 =	simm.s32 $0xD354  }
0x6d: {  	[tilespmem:s25], [sflag:$0x2] =	stream.linear.gather [spmem:s24], $0x1, $0x38;
	[tilespmem:$0xD550] =	vst v63  }
0x6e: {  	s26 =	simm.s32 $0xC555;
	s19 =	spop (v2sf)  }
0x6f: {  	(v2sf) =	vpush v0, $0x6;
	[tilespmem:s26], [sflag:$0x2] =	stream.linear.gather [spmem:s19], $0x1, $0x38;
	[tilespmem:$0xD550] =	vst v63  }
0x70: {  	s29 =	simm.s32 $0xC755;
	s28 =	sadd.s32 $0x186A0, s19  }
0x71: {  	[tilespmem:s29], [sflag:$0x2] =	stream.linear.gather [spmem:s28], $0x1, $0x38;
	[tilespmem:$0xD550] =	vst v63  }
0x72: {  	s31 =	simm.s32 $0xC955;
	s30 =	sadd.s32 $0x30D40, s19  }
0x73: {  	[tilespmem:s31], [sflag:$0x2] =	stream.linear.gather [spmem:s30], $0x1, $0x38;
	[tilespmem:$0xD550] =	vst v63  }
0x74: {  	s21 =	sadd.s32 $0x493E0, s19;
	s22 =	simm.s32 $0xCB55  }
0x75: {  	[tilespmem:s22], [sflag:$0x2] =	stream.linear.gather [spmem:s21], $0x1, $0x38;
	[tilespmem:$0xD550] =	vst v63  }
0x76: {  	s23 =	sadd.s32 $0x61A80, s19;
	s24 =	simm.s32 $0xCD55  }
0x77: {  	[tilespmem:s24], [sflag:$0x2] =	stream.linear.gather [spmem:s23], $0x1, $0x38;
	[tilespmem:$0xD550] =	vst v63  }
0x78: {  	s25 =	sadd.s32 $0x7A120, s19;
	s26 =	simm.s32 $0xCF55  }
0x79: {  	[tilespmem:s26], [sflag:$0x2] =	stream.linear.gather [spmem:s25], $0x1, $0x38;
	[tilespmem:$0xD550] =	vst v63  }
0x7a: {  	s28 =	sadd.s32 $0x927C0, s19;
	s29 =	simm.s32 $0xD155  }
0x7b: {  	[tilespmem:s29], [sflag:$0x2] =	stream.linear.gather [spmem:s28], $0x1, $0x38;
	[tilespmem:$0xD550] =	vst v63  }
0x7c: {  	s30 =	sadd.s32 $0xAAE60, s19;
	s31 =	simm.s32 $0xD355  }
0x7d: {  	[tilespmem:s31], [sflag:$0x2] =	stream.linear.gather [spmem:s30], $0x1, $0x38;
	[tilespmem:$0xD550] =	vst v63  }
0x7e: {  	s20 =	simm.s32 $0xC556;
	s19 =	spop (v2sf)  }
0x7f: {  	(v2sf) =	vpush v0, $0x7;
	[tilespmem:s20], [sflag:$0x2] =	stream.linear.gather [spmem:s19], $0x1, $0x38;
	[tilespmem:$0xD550] =	vst v63  }
0x80: {  	s22 =	simm.s32 $0xC756;
	s21 =	sadd.s32 $0x186A0, s19  }
0x81: {  	[tilespmem:s22], [sflag:$0x2] =	stream.linear.gather [spmem:s21], $0x1, $0x38;
	[tilespmem:$0xD550] =	vst v63  }
0x82: {  	s24 =	simm.s32 $0xC956;
	s23 =	sadd.s32 $0x30D40, s19  }
0x83: {  	[tilespmem:s24], [sflag:$0x2] =	stream.linear.gather [spmem:s23], $0x1, $0x38;
	[tilespmem:$0xD550] =	vst v63  }
0x84: {  	s25 =	sadd.s32 $0x493E0, s19;
	s26 =	simm.s32 $0xCB56  }
0x85: {  	[tilespmem:s26], [sflag:$0x2] =	stream.linear.gather [spmem:s25], $0x1, $0x38;
	[tilespmem:$0xD550] =	vst v63  }
0x86: {  	s28 =	sadd.s32 $0x61A80, s19;
	s29 =	simm.s32 $0xCD56  }
0x87: {  	[tilespmem:s29], [sflag:$0x2] =	stream.linear.gather [spmem:s28], $0x1, $0x38;
	[tilespmem:$0xD550] =	vst v63  }
0x88: {  	s30 =	sadd.s32 $0x7A120, s19;
	s31 =	simm.s32 $0xCF56  }
0x89: {  	[tilespmem:s31], [sflag:$0x2] =	stream.linear.gather [spmem:s30], $0x1, $0x38;
	[tilespmem:$0xD550] =	vst v63  }
0x8a: {  	s20 =	sadd.s32 $0x927C0, s19;
	s21 =	simm.s32 $0xD156  }
0x8b: {  	[tilespmem:s21], [sflag:$0x2] =	stream.linear.gather [spmem:s20], $0x1, $0x38;
	[tilespmem:$0xD550] =	vst v63  }
0x8c: {  	s22 =	sadd.s32 $0xAAE60, s19;
	s23 =	simm.s32 $0xD356  }
0x8d: {  	[tilespmem:s23], [sflag:$0x2] =	stream.linear.gather [spmem:s22], $0x1, $0x38;
	[tilespmem:$0xD550] =	vst v63  }
0x8e: {  	s24 =	simm.s32 $0xC557;
	s19 =	spop (v2sf)  }
0x8f: {  	(v2sf) =	vpush v0, $0x8;
	[tilespmem:s24], [sflag:$0x2] =	stream.linear.gather [spmem:s19], $0x1, $0x38;
	[tilespmem:$0xD550] =	vst v63  }
0x90: {  	s26 =	simm.s32 $0xC757;
	s25 =	sadd.s32 $0x186A0, s19  }
0x91: {  	[tilespmem:s26], [sflag:$0x2] =	stream.linear.gather [spmem:s25], $0x1, $0x38;
	[tilespmem:$0xD550] =	vst v63  }
0x92: {  	s29 =	simm.s32 $0xC957;
	s28 =	sadd.s32 $0x30D40, s19  }
0x93: {  	[tilespmem:s29], [sflag:$0x2] =	stream.linear.gather [spmem:s28], $0x1, $0x38;
	[tilespmem:$0xD550] =	vst v63  }
0x94: {  	s30 =	sadd.s32 $0x493E0, s19;
	s31 =	simm.s32 $0xCB57  }
0x95: {  	[tilespmem:s31], [sflag:$0x2] =	stream.linear.gather [spmem:s30], $0x1, $0x38;
	[tilespmem:$0xD550] =	vst v63  }
0x96: {  	s20 =	sadd.s32 $0x61A80, s19;
	s21 =	simm.s32 $0xCD57  }
0x97: {  	[tilespmem:s21], [sflag:$0x2] =	stream.linear.gather [spmem:s20], $0x1, $0x38;
	[tilespmem:$0xD550] =	vst v63  }
0x98: {  	s22 =	sadd.s32 $0x7A120, s19;
	s23 =	simm.s32 $0xCF57  }
0x99: {  	[tilespmem:s23], [sflag:$0x2] =	stream.linear.gather [spmem:s22], $0x1, $0x38;
	[tilespmem:$0xD550] =	vst v63  }
0x9a: {  	s24 =	sadd.s32 $0x927C0, s19;
	s25 =	simm.s32 $0xD157  }
0x9b: {  	[tilespmem:s25], [sflag:$0x2] =	stream.linear.gather [spmem:s24], $0x1, $0x38;
	[tilespmem:$0xD550] =	vst v63  }
0x9c: {  	s26 =	sadd.s32 $0xAAE60, s19;
	s28 =	simm.s32 $0xD357  }
0x9d: {  	[tilespmem:s28], [sflag:$0x2] =	stream.linear.gather [spmem:s26], $0x1, $0x38;
	[tilespmem:$0xD550] =	vst v63  }
0x9e: {  	s29 =	simm.s32 $0xC558;
	s19 =	spop (v2sf)  }
0x9f: {  	(v2sf) =	vpush v0, $0x9;
	[tilespmem:s29], [sflag:$0x2] =	stream.linear.gather [spmem:s19], $0x1, $0x38;
	[tilespmem:$0xD550] =	vst v63  }
0xa0: {  	s31 =	simm.s32 $0xC758;
	s30 =	sadd.s32 $0x186A0, s19  }
0xa1: {  	[tilespmem:s31], [sflag:$0x2] =	stream.linear.gather [spmem:s30], $0x1, $0x38;
	[tilespmem:$0xD550] =	vst v63  }
0xa2: {  	s21 =	sadd.s32 $0x30D40, s19;
	s22 =	simm.s32 $0xC958  }
0xa3: {  	[tilespmem:s22], [sflag:$0x2] =	stream.linear.gather [spmem:s21], $0x1, $0x38;
	[tilespmem:$0xD550] =	vst v63  }
0xa4: {  	s23 =	sadd.s32 $0x493E0, s19;
	s24 =	simm.s32 $0xCB58  }
0xa5: {  	[tilespmem:s24], [sflag:$0x2] =	stream.linear.gather [spmem:s23], $0x1, $0x38;
	[tilespmem:$0xD550] =	vst v63  }
0xa6: {  	s25 =	sadd.s32 $0x61A80, s19;
	s26 =	simm.s32 $0xCD58  }
0xa7: {  	[tilespmem:s26], [sflag:$0x2] =	stream.linear.gather [spmem:s25], $0x1, $0x38;
	[tilespmem:$0xD550] =	vst v63  }
0xa8: {  	s28 =	sadd.s32 $0x7A120, s19;
	s29 =	simm.s32 $0xCF58  }
0xa9: {  	[tilespmem:s29], [sflag:$0x2] =	stream.linear.gather [spmem:s28], $0x1, $0x38;
	[tilespmem:$0xD550] =	vst v63  }
0xaa: {  	s30 =	sadd.s32 $0x927C0, s19;
	s31 =	simm.s32 $0xD158  }
0xab: {  	[tilespmem:s31], [sflag:$0x2] =	stream.linear.gather [spmem:s30], $0x1, $0x38;
	[tilespmem:$0xD550] =	vst v63  }
0xac: {  	s20 =	sadd.s32 $0xAAE60, s19;
	s21 =	simm.s32 $0xD358  }
0xad: {  	[tilespmem:s21], [sflag:$0x2] =	stream.linear.gather [spmem:s20], $0x1, $0x38;
	[tilespmem:$0xD550] =	vst v63  }
0xae: {  	s22 =	simm.s32 $0xC559;
	s19 =	spop (v2sf)  }
0xaf: {  	(v2sf) =	vpush v0, $0xA;
	[tilespmem:s22], [sflag:$0x2] =	stream.linear.gather [spmem:s19], $0x1, $0x38;
	[tilespmem:$0xD550] =	vst v63  }
0xb0: {  	s24 =	simm.s32 $0xC759;
	s23 =	sadd.s32 $0x186A0, s19  }
0xb1: {  	[tilespmem:s24], [sflag:$0x2] =	stream.linear.gather [spmem:s23], $0x1, $0x38;
	[tilespmem:$0xD550] =	vst v63  }
0xb2: {  	s25 =	sadd.s32 $0x30D40, s19;
	s26 =	simm.s32 $0xC959  }
0xb3: {  	[tilespmem:s26], [sflag:$0x2] =	stream.linear.gather [spmem:s25], $0x1, $0x38;
	[tilespmem:$0xD550] =	vst v63  }
0xb4: {  	s28 =	sadd.s32 $0x493E0, s19;
	s29 =	simm.s32 $0xCB59  }
0xb5: {  	[tilespmem:s29], [sflag:$0x2] =	stream.linear.gather [spmem:s28], $0x1, $0x38;
	[tilespmem:$0xD550] =	vst v63  }
0xb6: {  	s30 =	sadd.s32 $0x61A80, s19;
	s31 =	simm.s32 $0xCD59  }
0xb7: {  	[tilespmem:s31], [sflag:$0x2] =	stream.linear.gather [spmem:s30], $0x1, $0x38;
	[tilespmem:$0xD550] =	vst v63  }
0xb8: {  	s20 =	sadd.s32 $0x7A120, s19;
	s21 =	simm.s32 $0xCF59  }
0xb9: {  	[tilespmem:s21], [sflag:$0x2] =	stream.linear.gather [spmem:s20], $0x1, $0x38;
	[tilespmem:$0xD550] =	vst v63  }
0xba: {  	s22 =	sadd.s32 $0x927C0, s19;
	s23 =	simm.s32 $0xD159  }
0xbb: {  	[tilespmem:s23], [sflag:$0x2] =	stream.linear.gather [spmem:s22], $0x1, $0x38;
	[tilespmem:$0xD550] =	vst v63  }
0xbc: {  	s24 =	sadd.s32 $0xAAE60, s19;
	s25 =	simm.s32 $0xD359  }
0xbd: {  	[tilespmem:s25], [sflag:$0x2] =	stream.linear.gather [spmem:s24], $0x1, $0x38;
	[tilespmem:$0xD550] =	vst v63  }
0xbe: {  	s26 =	simm.s32 $0xC55A;
	s19 =	spop (v2sf)  }
0xbf: {  	(v2sf) =	vpush v0, $0xB;
	[tilespmem:s26], [sflag:$0x2] =	stream.linear.gather [spmem:s19], $0x1, $0x38;
	[tilespmem:$0xD550] =	vst v63  }
0xc0: {  	s28 =	sadd.s32 $0x186A0, s19;
	s29 =	simm.s32 $0xC75A  }
0xc1: {  	[tilespmem:s29], [sflag:$0x2] =	stream.linear.gather [spmem:s28], $0x1, $0x38;
	[tilespmem:$0xD550] =	vst v63  }
0xc2: {  	s30 =	sadd.s32 $0x30D40, s19;
	s31 =	simm.s32 $0xC95A  }
0xc3: {  	[tilespmem:s31], [sflag:$0x2] =	stream.linear.gather [spmem:s30], $0x1, $0x38;
	[tilespmem:$0xD550] =	vst v63  }
0xc4: {  	s21 =	sadd.s32 $0x493E0, s19;
	s22 =	simm.s32 $0xCB5A  }
0xc5: {  	[tilespmem:s22], [sflag:$0x2] =	stream.linear.gather [spmem:s21], $0x1, $0x38;
	[tilespmem:$0xD550] =	vst v63  }
0xc6: {  	s23 =	sadd.s32 $0x61A80, s19;
	s24 =	simm.s32 $0xCD5A  }
0xc7: {  	[tilespmem:s24], [sflag:$0x2] =	stream.linear.gather [spmem:s23], $0x1, $0x38;
	[tilespmem:$0xD550] =	vst v63  }
0xc8: {  	s25 =	sadd.s32 $0x7A120, s19;
	s26 =	simm.s32 $0xCF5A  }
0xc9: {  	[tilespmem:s26], [sflag:$0x2] =	stream.linear.gather [spmem:s25], $0x1, $0x38;
	[tilespmem:$0xD550] =	vst v63  }
0xca: {  	s28 =	sadd.s32 $0x927C0, s19;
	s29 =	simm.s32 $0xD15A  }
0xcb: {  	[tilespmem:s29], [sflag:$0x2] =	stream.linear.gather [spmem:s28], $0x1, $0x38;
	[tilespmem:$0xD550] =	vst v63  }
0xcc: {  	s30 =	sadd.s32 $0xAAE60, s19;
	s31 =	simm.s32 $0xD35A  }
0xcd: {  	[tilespmem:s31], [sflag:$0x2] =	stream.linear.gather [spmem:s30], $0x1, $0x38;
	[tilespmem:$0xD550] =	vst v63  }
0xce: {  	s20 =	simm.s32 $0xC55B;
	s19 =	spop (v2sf)  }
0xcf: {  	(v2sf) =	vpush v0, $0xC;
	[tilespmem:s20], [sflag:$0x2] =	stream.linear.gather [spmem:s19], $0x1, $0x38;
	[tilespmem:$0xD550] =	vst v63  }
0xd0: {  	s21 =	sadd.s32 $0x186A0, s19;
	s22 =	simm.s32 $0xC75B  }
0xd1: {  	[tilespmem:s22], [sflag:$0x2] =	stream.linear.gather [spmem:s21], $0x1, $0x38;
	[tilespmem:$0xD550] =	vst v63  }
0xd2: {  	s23 =	sadd.s32 $0x30D40, s19;
	s24 =	simm.s32 $0xC95B  }
0xd3: {  	[tilespmem:s24], [sflag:$0x2] =	stream.linear.gather [spmem:s23], $0x1, $0x38;
	[tilespmem:$0xD550] =	vst v63  }
0xd4: {  	s25 =	sadd.s32 $0x493E0, s19;
	s26 =	simm.s32 $0xCB5B  }
0xd5: {  	[tilespmem:s26], [sflag:$0x2] =	stream.linear.gather [spmem:s25], $0x1, $0x38;
	[tilespmem:$0xD550] =	vst v63  }
0xd6: {  	s28 =	sadd.s32 $0x61A80, s19;
	s29 =	simm.s32 $0xCD5B  }
0xd7: {  	[tilespmem:s29], [sflag:$0x2] =	stream.linear.gather [spmem:s28], $0x1, $0x38;
	[tilespmem:$0xD550] =	vst v63  }
0xd8: {  	s30 =	sadd.s32 $0x7A120, s19;
	s31 =	simm.s32 $0xCF5B  }
0xd9: {  	[tilespmem:s31], [sflag:$0x2] =	stream.linear.gather [spmem:s30], $0x1, $0x38;
	[tilespmem:$0xD550] =	vst v63  }
0xda: {  	s20 =	sadd.s32 $0x927C0, s19;
	s21 =	simm.s32 $0xD15B  }
0xdb: {  	[tilespmem:s21], [sflag:$0x2] =	stream.linear.gather [spmem:s20], $0x1, $0x38;
	[tilespmem:$0xD550] =	vst v63  }
0xdc: {  	s22 =	sadd.s32 $0xAAE60, s19;
	s23 =	simm.s32 $0xD35B  }
0xdd: {  	[tilespmem:s23], [sflag:$0x2] =	stream.linear.gather [spmem:s22], $0x1, $0x38;
	[tilespmem:$0xD550] =	vst v63  }
0xde: {  	s19 =	spop (v2sf);
	s24 =	simm.s32 $0xC55C  }
0xdf: {  	(v2sf) =	vpush v0, $0xD;
	[tilespmem:s24], [sflag:$0x2] =	stream.linear.gather [spmem:s19], $0x1, $0x38;
	[tilespmem:$0xD550] =	vst v63  }
0xe0: {  	s25 =	sadd.s32 $0x186A0, s19;
	s26 =	simm.s32 $0xC75C  }
0xe1: {  	[tilespmem:s26], [sflag:$0x2] =	stream.linear.gather [spmem:s25], $0x1, $0x38;
	[tilespmem:$0xD550] =	vst v63  }
0xe2: {  	s28 =	sadd.s32 $0x30D40, s19;
	s29 =	simm.s32 $0xC95C  }
0xe3: {  	[tilespmem:s29], [sflag:$0x2] =	stream.linear.gather [spmem:s28], $0x1, $0x38;
	[tilespmem:$0xD550] =	vst v63  }
0xe4: {  	s30 =	sadd.s32 $0x493E0, s19;
	s31 =	simm.s32 $0xCB5C  }
0xe5: {  	[tilespmem:s31], [sflag:$0x2] =	stream.linear.gather [spmem:s30], $0x1, $0x38;
	[tilespmem:$0xD550] =	vst v63  }
0xe6: {  	s20 =	sadd.s32 $0x61A80, s19;
	s21 =	simm.s32 $0xCD5C  }
0xe7: {  	[tilespmem:s21], [sflag:$0x2] =	stream.linear.gather [spmem:s20], $0x1, $0x38;
	[tilespmem:$0xD550] =	vst v63  }
0xe8: {  	s22 =	sadd.s32 $0x7A120, s19;
	s23 =	simm.s32 $0xCF5C  }
0xe9: {  	[tilespmem:s23], [sflag:$0x2] =	stream.linear.gather [spmem:s22], $0x1, $0x38;
	[tilespmem:$0xD550] =	vst v63  }
0xea: {  	s24 =	sadd.s32 $0x927C0, s19;
	s25 =	simm.s32 $0xD15C  }
0xeb: {  	[tilespmem:s25], [sflag:$0x2] =	stream.linear.gather [spmem:s24], $0x1, $0x38;
	[tilespmem:$0xD550] =	vst v63  }
0xec: {  	s26 =	sadd.s32 $0xAAE60, s19;
	s28 =	simm.s32 $0xD35C  }
0xed: {  	[tilespmem:s28], [sflag:$0x2] =	stream.linear.gather [spmem:s26], $0x1, $0x38;
	[tilespmem:$0xD550] =	vst v63  }
0xee: {  	s19 =	spop (v2sf);
	s29 =	simm.s32 $0xC55D  }
0xef: {  	(v2sf) =	vpush v0, $0xE;
	[tilespmem:s29], [sflag:$0x2] =	stream.linear.gather [spmem:s19], $0x1, $0x38;
	[tilespmem:$0xD550] =	vst v63  }
0xf0: {  	s30 =	sadd.s32 $0x186A0, s19;
	s31 =	simm.s32 $0xC75D  }
0xf1: {  	[tilespmem:s31], [sflag:$0x2] =	stream.linear.gather [spmem:s30], $0x1, $0x38;
	[tilespmem:$0xD550] =	vst v63  }
0xf2: {  	s21 =	sadd.s32 $0x30D40, s19;
	s22 =	simm.s32 $0xC95D  }
0xf3: {  	[tilespmem:s22], [sflag:$0x2] =	stream.linear.gather [spmem:s21], $0x1, $0x38;
	[tilespmem:$0xD550] =	vst v63  }
0xf4: {  	s23 =	sadd.s32 $0x493E0, s19;
	s24 =	simm.s32 $0xCB5D  }
0xf5: {  	[tilespmem:s24], [sflag:$0x2] =	stream.linear.gather [spmem:s23], $0x1, $0x38;
	[tilespmem:$0xD550] =	vst v63  }
0xf6: {  	s25 =	sadd.s32 $0x61A80, s19;
	s26 =	simm.s32 $0xCD5D  }
0xf7: {  	[tilespmem:s26], [sflag:$0x2] =	stream.linear.gather [spmem:s25], $0x1, $0x38;
	[tilespmem:$0xD550] =	vst v63  }
0xf8: {  	s28 =	sadd.s32 $0x7A120, s19;
	s29 =	simm.s32 $0xCF5D  }
0xf9: {  	[tilespmem:s29], [sflag:$0x2] =	stream.linear.gather [spmem:s28], $0x1, $0x38;
	[tilespmem:$0xD550] =	vst v63  }
0xfa: {  	s30 =	sadd.s32 $0x927C0, s19;
	s31 =	simm.s32 $0xD15D  }
0xfb: {  	[tilespmem:s31], [sflag:$0x2] =	stream.linear.gather [spmem:s30], $0x1, $0x38;
	[tilespmem:$0xD550] =	vst v63  }
0xfc: {  	s20 =	sadd.s32 $0xAAE60, s19;
	s21 =	simm.s32 $0xD35D  }
0xfd: {  	[tilespmem:s21], [sflag:$0x2] =	stream.linear.gather [spmem:s20], $0x1, $0x38;
	[tilespmem:$0xD550] =	vst v63  }
0xfe: {  	s19 =	spop (v2sf);
	s22 =	simm.s32 $0xC55E  }
0xff: {  	(v2sf) =	vpush v0, $0xF;
	[tilespmem:s22], [sflag:$0x2] =	stream.linear.gather [spmem:s19], $0x1, $0x38;
	[tilespmem:$0xD550] =	vst v63  }
0x100: {  	s23 =	sadd.s32 $0x186A0, s19;
	s24 =	simm.s32 $0xC75E  }
0x101: {  	[tilespmem:s24], [sflag:$0x2] =	stream.linear.gather [spmem:s23], $0x1, $0x38;
	[tilespmem:$0xD550] =	vst v63  }
0x102: {  	s25 =	sadd.s32 $0x30D40, s19;
	s26 =	simm.s32 $0xC95E  }
0x103: {  	[tilespmem:s26], [sflag:$0x2] =	stream.linear.gather [spmem:s25], $0x1, $0x38;
	[tilespmem:$0xD550] =	vst v63  }
0x104: {  	s28 =	sadd.s32 $0x493E0, s19;
	s29 =	simm.s32 $0xCB5E  }
0x105: {  	[tilespmem:s29], [sflag:$0x2] =	stream.linear.gather [spmem:s28], $0x1, $0x38;
	[tilespmem:$0xD550] =	vst v63  }
0x106: {  	s30 =	sadd.s32 $0x61A80, s19;
	s31 =	simm.s32 $0xCD5E  }
0x107: {  	[tilespmem:s31], [sflag:$0x2] =	stream.linear.gather [spmem:s30], $0x1, $0x38;
	[tilespmem:$0xD550] =	vst v63  }
0x108: {  	s20 =	sadd.s32 $0x7A120, s19;
	s21 =	simm.s32 $0xCF5E  }
0x109: {  	[tilespmem:s21], [sflag:$0x2] =	stream.linear.gather [spmem:s20], $0x1, $0x38;
	[tilespmem:$0xD550] =	vst v63  }
0x10a: {  	s22 =	sadd.s32 $0x927C0, s19;
	s23 =	simm.s32 $0xD15E  }
0x10b: {  	[tilespmem:s23], [sflag:$0x2] =	stream.linear.gather [spmem:s22], $0x1, $0x38;
	[tilespmem:$0xD550] =	vst v63  }
0x10c: {  	s24 =	sadd.s32 $0xAAE60, s19;
	s25 =	simm.s32 $0xD35E  }
0x10d: {  	[tilespmem:s25], [sflag:$0x2] =	stream.linear.gather [spmem:s24], $0x1, $0x38;
	[tilespmem:$0xD550] =	vst v63  }
0x10e: {  	s19 =	spop (v2sf);
	s26 =	simm.s32 $0xC55F  }
0x10f: {  	[tilespmem:s26], [sflag:$0x2] =	stream.linear.gather [spmem:s19], $0x1, $0x38;
	[tilespmem:$0xD550] =	vst v63  }
0x110: {  	s28 =	sadd.s32 $0x186A0, s19;
	s29 =	simm.s32 $0xC75F  }
0x111: {  	[tilespmem:s29], [sflag:$0x2] =	stream.linear.gather [spmem:s28], $0x1, $0x38;
	[tilespmem:$0xD550] =	vst v63  }
0x112: {  	s30 =	sadd.s32 $0x30D40, s19;
	s31 =	simm.s32 $0xC95F  }
0x113: {  	[tilespmem:s31], [sflag:$0x2] =	stream.linear.gather [spmem:s30], $0x1, $0x38;
	[tilespmem:$0xD550] =	vst v63  }
0x114: {  	s21 =	sadd.s32 $0x493E0, s19;
	s22 =	simm.s32 $0xCB5F  }
0x115: {  	[tilespmem:s22], [sflag:$0x2] =	stream.linear.gather [spmem:s21], $0x1, $0x38;
	[tilespmem:$0xD550] =	vst v63  }
0x116: {  	s23 =	sadd.s32 $0x61A80, s19;
	s24 =	simm.s32 $0xCD5F  }
0x117: {  	[tilespmem:s24], [sflag:$0x2] =	stream.linear.gather [spmem:s23], $0x1, $0x38;
	[tilespmem:$0xD550] =	vst v63  }
0x118: {  	s25 =	sadd.s32 $0x7A120, s19;
	s26 =	simm.s32 $0xCF5F  }
0x119: {  	[tilespmem:s26], [sflag:$0x2] =	stream.linear.gather [spmem:s25], $0x1, $0x38;
	[tilespmem:$0xD550] =	vst v63  }
0x11a: {  	p1 =	por $0x1, $0x1;
	s28 =	sadd.s32 $0x927C0, s19;
	s29 =	simm.s32 $0xD15F  }
0x11b: {  	[tilespmem:s29], [sflag:$0x2] =	stream.linear.gather [spmem:s28], $0x1, $0x38;
	[tilespmem:$0xD550] =	vst v63  }
0x11c: {  	s30 =	sadd.s32 $0xAAE60, s19;
	s31 =	simm.s32 $0xD35F;
	s21 =	simm.s32 @!p1 $0x2  }
0x11d: {  	[tilespmem:s31], [sflag:$0x2] =	stream.linear.gather [spmem:s30], $0x1, $0x38;
	[tilespmem:$0xD550] =	vst v63  }
0x11e: {  	_ =	swait.ge @!p1 [sflag:s21], $0x8  }
0x11f: {  	[sflag:s21] =	ssyncset.done @!p1 $0x0  }
0x120: {  	[sflag:s21] =	ssyncadd.s32 @!p1 $0xFFFFFFF8  }
0x121: {  	_ =	swait.ge @!p1 [sflag:s21], $0x8  }
0x122: {  	[sflag:s21] =	ssyncset.done @!p1 $0x0  }
0x123: {  	[sflag:s21] =	ssyncadd.s32 @!p1 $0xFFFFFFF8  }
0x124: {  	_ =	swait.ge @!p1 [sflag:s21], $0x8  }
0x125: {  	[sflag:s21] =	ssyncset.done @!p1 $0x0  }
0x126: {  	[sflag:s21] =	ssyncadd.s32 @!p1 $0xFFFFFFF8  }
0x127: {  	_ =	swait.ge @!p1 [sflag:s21], $0x8  }
0x128: {  	[sflag:s21] =	ssyncset.done @!p1 $0x0  }
0x129: {  	[sflag:s21] =	ssyncadd.s32 @!p1 $0xFFFFFFF8  }
0x12a: {  	_ =	swait.ge @!p1 [sflag:s21], $0x8  }
0x12b: {  	[sflag:s21] =	ssyncset.done @!p1 $0x0  }
0x12c: {  	[sflag:s21] =	ssyncadd.s32 @!p1 $0xFFFFFFF8  }
0x12d: {  	_ =	swait.ge @!p1 [sflag:s21], $0x8  }
0x12e: {  	[sflag:s21] =	ssyncset.done @!p1 $0x0  }
0x12f: {  	[sflag:s21] =	ssyncadd.s32 @!p1 $0xFFFFFFF8  }
0x130: {  	_ =	swait.ge @!p1 [sflag:s21], $0x8  }
0x131: {  	[sflag:s21] =	ssyncset.done @!p1 $0x0  }
0x132: {  	[sflag:s21] =	ssyncadd.s32 @!p1 $0xFFFFFFF8  }
0x133: {  	_ =	swait.ge @!p1 [sflag:s21], $0x8  }
0x134: {  	[sflag:s21] =	ssyncset.done @!p1 $0x0  }
0x135: {  	[sflag:s21] =	ssyncadd.s32 @!p1 $0xFFFFFFF8  }
0x136: {  	_ =	swait.ge @!p1 [sflag:s21], $0x8  }
0x137: {  	[sflag:s21] =	ssyncset.done @!p1 $0x0  }
0x138: {  	[sflag:s21] =	ssyncadd.s32 @!p1 $0xFFFFFFF8  }
0x139: {  	_ =	swait.ge @!p1 [sflag:s21], $0x8  }
0x13a: {  	[sflag:s21] =	ssyncset.done @!p1 $0x0  }
0x13b: {  	[sflag:s21] =	ssyncadd.s32 @!p1 $0xFFFFFFF8  }
0x13c: {  	_ =	swait.ge @!p1 [sflag:s21], $0x8  }
0x13d: {  	[sflag:s21] =	ssyncset.done @!p1 $0x0  }
0x13e: {  	[sflag:s21] =	ssyncadd.s32 @!p1 $0xFFFFFFF8  }
0x13f: {  	_ =	swait.ge @!p1 [sflag:s21], $0x8  }
0x140: {  	[sflag:s21] =	ssyncset.done @!p1 $0x0  }
0x141: {  	[sflag:s21] =	ssyncadd.s32 @!p1 $0xFFFFFFF8  }
0x142: {  	_ =	swait.ge @!p1 [sflag:s21], $0x8  }
0x143: {  	[sflag:s21] =	ssyncset.done @!p1 $0x0  }
0x144: {  	[sflag:s21] =	ssyncadd.s32 @!p1 $0xFFFFFFF8  }
0x145: {  	_ =	swait.ge @!p1 [sflag:s21], $0x8  }
0x146: {  	[sflag:s21] =	ssyncset.done @!p1 $0x0  }
0x147: {  	[sflag:s21] =	ssyncadd.s32 @!p1 $0xFFFFFFF8  }
0x148: {  	_ =	swait.ge @!p1 [sflag:s21], $0x8  }
0x149: {  	[sflag:s21] =	ssyncset.done @!p1 $0x0  }
0x14a: {  	[sflag:s21] =	ssyncadd.s32 @!p1 $0xFFFFFFF8  }
0x14b: {  	s18 =	simm.s32 $0x40;
	s19 =	simm.s32 $0x0;
	_ =	swait.ge @!p1 [sflag:s21], $0x8  }
.LBB2_2:
0x14c: {  	[sflag:s21] =	ssyncset.done @!p1 $0x0  }
0x14d: {  	s19 =	sadd.s32 $0x1, s19;
	s20 =	smov.u32 s18;
	s18 =	sadd.s32 $0x40, s18  }
0x14e: {  	s20 =	sshra.s32 s20, $0x2;
	p0 =	sne.s32 s18, $0x800;
	[sflag:s21] =	ssyncadd.s32 @!p1 $0xFFFFFFF8  }
0x14f: {  	v0 =	vld [tilespmem:s20+$0xC350];
	_ =	sdelay $0x4  }
0x150: {  	v0 =	vadd.s32 s2, v0  }
0x151: {  	(v2sf) =	vpush v0, $0x0;
	_ =	sdelay $0xe  }
0x152: {  	s21 =	sadd.s32 $0xC550, s20;
	s22 =	spop (v2sf)  }
0x153: {  	[tilespmem:s21], [sflag:$0x2] =	stream.linear.gather [spmem:s22], $0x1, $0x38;
	(v2sf) =	vpush v0, $0x1;
	[tilespmem:$0xD550] =	vst v63  }
0x154: {  	s23 =	sadd.s32 $0xC750, s20;
	s21 =	sadd.s32 $0x186A0, s22  }
0x155: {  	[tilespmem:s23], [sflag:$0x2] =	stream.linear.gather [spmem:s21], $0x1, $0x38;
	[tilespmem:$0xD550] =	vst v63  }
0x156: {  	s21 =	sadd.s32 $0x30D40, s22;
	s23 =	sadd.s32 $0xC950, s20  }
0x157: {  	[tilespmem:s23], [sflag:$0x2] =	stream.linear.gather [spmem:s21], $0x1, $0x38;
	[tilespmem:$0xD550] =	vst v63  }
0x158: {  	s21 =	sadd.s32 $0x493E0, s22;
	s23 =	sadd.s32 $0xCB50, s20  }
0x159: {  	[tilespmem:s23], [sflag:$0x2] =	stream.linear.gather [spmem:s21], $0x1, $0x38;
	[tilespmem:$0xD550] =	vst v63  }
0x15a: {  	s21 =	sadd.s32 $0x61A80, s22;
	s23 =	sadd.s32 $0xCD50, s20  }
0x15b: {  	[tilespmem:s23], [sflag:$0x2] =	stream.linear.gather [spmem:s21], $0x1, $0x38;
	[tilespmem:$0xD550] =	vst v63  }
0x15c: {  	s21 =	sadd.s32 $0x7A120, s22;
	s23 =	sadd.s32 $0xCF50, s20  }
0x15d: {  	[tilespmem:s23], [sflag:$0x2] =	stream.linear.gather [spmem:s21], $0x1, $0x38;
	[tilespmem:$0xD550] =	vst v63  }
0x15e: {  	s21 =	sadd.s32 $0x927C0, s22;
	s23 =	sadd.s32 $0xD150, s20  }
0x15f: {  	[tilespmem:s23], [sflag:$0x2] =	stream.linear.gather [spmem:s21], $0x1, $0x38;
	[tilespmem:$0xD550] =	vst v63  }
0x160: {  	s21 =	sadd.s32 $0xAAE60, s22;
	s22 =	sadd.s32 $0xD350, s20  }
0x161: {  	[tilespmem:s22], [sflag:$0x2] =	stream.linear.gather [spmem:s21], $0x1, $0x38;
	[tilespmem:$0xD550] =	vst v63  }
0x162: {  	s21 =	sadd.s32 $0xC551, s20;
	s22 =	spop (v2sf)  }
0x163: {  	[tilespmem:s21], [sflag:$0x2] =	stream.linear.gather [spmem:s22], $0x1, $0x38;
	(v2sf) =	vpush v0, $0x2;
	[tilespmem:$0xD550] =	vst v63  }
0x164: {  	s23 =	sadd.s32 $0xC751, s20;
	s21 =	sadd.s32 $0x186A0, s22  }
0x165: {  	[tilespmem:s23], [sflag:$0x2] =	stream.linear.gather [spmem:s21], $0x1, $0x38;
	[tilespmem:$0xD550] =	vst v63  }
0x166: {  	s21 =	sadd.s32 $0x30D40, s22;
	s23 =	sadd.s32 $0xC951, s20  }
0x167: {  	[tilespmem:s23], [sflag:$0x2] =	stream.linear.gather [spmem:s21], $0x1, $0x38;
	[tilespmem:$0xD550] =	vst v63  }
0x168: {  	s21 =	sadd.s32 $0x493E0, s22;
	s23 =	sadd.s32 $0xCB51, s20  }
0x169: {  	[tilespmem:s23], [sflag:$0x2] =	stream.linear.gather [spmem:s21], $0x1, $0x38;
	[tilespmem:$0xD550] =	vst v63  }
0x16a: {  	s21 =	sadd.s32 $0x61A80, s22;
	s23 =	sadd.s32 $0xCD51, s20  }
0x16b: {  	[tilespmem:s23], [sflag:$0x2] =	stream.linear.gather [spmem:s21], $0x1, $0x38;
	[tilespmem:$0xD550] =	vst v63  }
0x16c: {  	s21 =	sadd.s32 $0x7A120, s22;
	s23 =	sadd.s32 $0xCF51, s20  }
0x16d: {  	[tilespmem:s23], [sflag:$0x2] =	stream.linear.gather [spmem:s21], $0x1, $0x38;
	[tilespmem:$0xD550] =	vst v63  }
0x16e: {  	s21 =	sadd.s32 $0x927C0, s22;
	s23 =	sadd.s32 $0xD151, s20  }
0x16f: {  	[tilespmem:s23], [sflag:$0x2] =	stream.linear.gather [spmem:s21], $0x1, $0x38;
	[tilespmem:$0xD550] =	vst v63  }
0x170: {  	s21 =	sadd.s32 $0xAAE60, s22;
	s22 =	sadd.s32 $0xD351, s20  }
0x171: {  	[tilespmem:s22], [sflag:$0x2] =	stream.linear.gather [spmem:s21], $0x1, $0x38;
	[tilespmem:$0xD550] =	vst v63  }
0x172: {  	s21 =	sadd.s32 $0xC552, s20;
	s22 =	spop (v2sf)  }
0x173: {  	[tilespmem:s21], [sflag:$0x2] =	stream.linear.gather [spmem:s22], $0x1, $0x38;
	(v2sf) =	vpush v0, $0x3;
	[tilespmem:$0xD550] =	vst v63  }
0x174: {  	s23 =	sadd.s32 $0xC752, s20;
	s21 =	sadd.s32 $0x186A0, s22  }
0x175: {  	[tilespmem:s23], [sflag:$0x2] =	stream.linear.gather [spmem:s21], $0x1, $0x38;
	[tilespmem:$0xD550] =	vst v63  }
0x176: {  	s21 =	sadd.s32 $0x30D40, s22;
	s23 =	sadd.s32 $0xC952, s20  }
0x177: {  	[tilespmem:s23], [sflag:$0x2] =	stream.linear.gather [spmem:s21], $0x1, $0x38;
	[tilespmem:$0xD550] =	vst v63  }
0x178: {  	s21 =	sadd.s32 $0x493E0, s22;
	s23 =	sadd.s32 $0xCB52, s20  }
0x179: {  	[tilespmem:s23], [sflag:$0x2] =	stream.linear.gather [spmem:s21], $0x1, $0x38;
	[tilespmem:$0xD550] =	vst v63  }
0x17a: {  	s21 =	sadd.s32 $0x61A80, s22;
	s23 =	sadd.s32 $0xCD52, s20  }
0x17b: {  	[tilespmem:s23], [sflag:$0x2] =	stream.linear.gather [spmem:s21], $0x1, $0x38;
	[tilespmem:$0xD550] =	vst v63  }
0x17c: {  	s21 =	sadd.s32 $0x7A120, s22;
	s23 =	sadd.s32 $0xCF52, s20  }
0x17d: {  	[tilespmem:s23], [sflag:$0x2] =	stream.linear.gather [spmem:s21], $0x1, $0x38;
	[tilespmem:$0xD550] =	vst v63  }
0x17e: {  	s21 =	sadd.s32 $0x927C0, s22;
	s23 =	sadd.s32 $0xD152, s20  }
0x17f: {  	[tilespmem:s23], [sflag:$0x2] =	stream.linear.gather [spmem:s21], $0x1, $0x38;
	[tilespmem:$0xD550] =	vst v63  }
0x180: {  	s21 =	sadd.s32 $0xAAE60, s22;
	s22 =	sadd.s32 $0xD352, s20  }
0x181: {  	[tilespmem:s22], [sflag:$0x2] =	stream.linear.gather [spmem:s21], $0x1, $0x38;
	[tilespmem:$0xD550] =	vst v63  }
0x182: {  	s21 =	sadd.s32 $0xC553, s20;
	s22 =	spop (v2sf)  }
0x183: {  	[tilespmem:s21], [sflag:$0x2] =	stream.linear.gather [spmem:s22], $0x1, $0x38;
	(v2sf) =	vpush v0, $0x4;
	[tilespmem:$0xD550] =	vst v63  }
0x184: {  	s23 =	sadd.s32 $0xC753, s20;
	s21 =	sadd.s32 $0x186A0, s22  }
0x185: {  	[tilespmem:s23], [sflag:$0x2] =	stream.linear.gather [spmem:s21], $0x1, $0x38;
	[tilespmem:$0xD550] =	vst v63  }
0x186: {  	s21 =	sadd.s32 $0x30D40, s22;
	s23 =	sadd.s32 $0xC953, s20  }
0x187: {  	[tilespmem:s23], [sflag:$0x2] =	stream.linear.gather [spmem:s21], $0x1, $0x38;
	[tilespmem:$0xD550] =	vst v63  }
0x188: {  	s21 =	sadd.s32 $0x493E0, s22;
	s23 =	sadd.s32 $0xCB53, s20  }
0x189: {  	[tilespmem:s23], [sflag:$0x2] =	stream.linear.gather [spmem:s21], $0x1, $0x38;
	[tilespmem:$0xD550] =	vst v63  }
0x18a: {  	s21 =	sadd.s32 $0x61A80, s22;
	s23 =	sadd.s32 $0xCD53, s20  }
0x18b: {  	[tilespmem:s23], [sflag:$0x2] =	stream.linear.gather [spmem:s21], $0x1, $0x38;
	[tilespmem:$0xD550] =	vst v63  }
0x18c: {  	s21 =	sadd.s32 $0x7A120, s22;
	s23 =	sadd.s32 $0xCF53, s20  }
0x18d: {  	[tilespmem:s23], [sflag:$0x2] =	stream.linear.gather [spmem:s21], $0x1, $0x38;
	[tilespmem:$0xD550] =	vst v63  }
0x18e: {  	s21 =	sadd.s32 $0x927C0, s22;
	s23 =	sadd.s32 $0xD153, s20  }
0x18f: {  	[tilespmem:s23], [sflag:$0x2] =	stream.linear.gather [spmem:s21], $0x1, $0x38;
	[tilespmem:$0xD550] =	vst v63  }
0x190: {  	s21 =	sadd.s32 $0xAAE60, s22;
	s22 =	sadd.s32 $0xD353, s20  }
0x191: {  	[tilespmem:s22], [sflag:$0x2] =	stream.linear.gather [spmem:s21], $0x1, $0x38;
	[tilespmem:$0xD550] =	vst v63  }
0x192: {  	s21 =	sadd.s32 $0xC554, s20;
	s22 =	spop (v2sf)  }
0x193: {  	[tilespmem:s21], [sflag:$0x2] =	stream.linear.gather [spmem:s22], $0x1, $0x38;
	(v2sf) =	vpush v0, $0x5;
	[tilespmem:$0xD550] =	vst v63  }
0x194: {  	s23 =	sadd.s32 $0xC754, s20;
	s21 =	sadd.s32 $0x186A0, s22  }
0x195: {  	[tilespmem:s23], [sflag:$0x2] =	stream.linear.gather [spmem:s21], $0x1, $0x38;
	[tilespmem:$0xD550] =	vst v63  }
0x196: {  	s21 =	sadd.s32 $0x30D40, s22;
	s23 =	sadd.s32 $0xC954, s20  }
0x197: {  	[tilespmem:s23], [sflag:$0x2] =	stream.linear.gather [spmem:s21], $0x1, $0x38;
	[tilespmem:$0xD550] =	vst v63  }
0x198: {  	s21 =	sadd.s32 $0x493E0, s22;
	s23 =	sadd.s32 $0xCB54, s20  }
0x199: {  	[tilespmem:s23], [sflag:$0x2] =	stream.linear.gather [spmem:s21], $0x1, $0x38;
	[tilespmem:$0xD550] =	vst v63  }
0x19a: {  	s21 =	sadd.s32 $0x61A80, s22;
	s23 =	sadd.s32 $0xCD54, s20  }
0x19b: {  	[tilespmem:s23], [sflag:$0x2] =	stream.linear.gather [spmem:s21], $0x1, $0x38;
	[tilespmem:$0xD550] =	vst v63  }
0x19c: {  	s21 =	sadd.s32 $0x7A120, s22;
	s23 =	sadd.s32 $0xCF54, s20  }
0x19d: {  	[tilespmem:s23], [sflag:$0x2] =	stream.linear.gather [spmem:s21], $0x1, $0x38;
	[tilespmem:$0xD550] =	vst v63  }
0x19e: {  	s21 =	sadd.s32 $0x927C0, s22;
	s23 =	sadd.s32 $0xD154, s20  }
0x19f: {  	[tilespmem:s23], [sflag:$0x2] =	stream.linear.gather [spmem:s21], $0x1, $0x38;
	[tilespmem:$0xD550] =	vst v63  }
0x1a0: {  	s21 =	sadd.s32 $0xAAE60, s22;
	s22 =	sadd.s32 $0xD354, s20  }
0x1a1: {  	[tilespmem:s22], [sflag:$0x2] =	stream.linear.gather [spmem:s21], $0x1, $0x38;
	[tilespmem:$0xD550] =	vst v63  }
0x1a2: {  	s21 =	sadd.s32 $0xC555, s20;
	s22 =	spop (v2sf)  }
0x1a3: {  	[tilespmem:s21], [sflag:$0x2] =	stream.linear.gather [spmem:s22], $0x1, $0x38;
	(v2sf) =	vpush v0, $0x6;
	[tilespmem:$0xD550] =	vst v63  }
0x1a4: {  	s23 =	sadd.s32 $0xC755, s20;
	s21 =	sadd.s32 $0x186A0, s22  }
0x1a5: {  	[tilespmem:s23], [sflag:$0x2] =	stream.linear.gather [spmem:s21], $0x1, $0x38;
	[tilespmem:$0xD550] =	vst v63  }
0x1a6: {  	s21 =	sadd.s32 $0x30D40, s22;
	s23 =	sadd.s32 $0xC955, s20  }
0x1a7: {  	[tilespmem:s23], [sflag:$0x2] =	stream.linear.gather [spmem:s21], $0x1, $0x38;
	[tilespmem:$0xD550] =	vst v63  }
0x1a8: {  	s21 =	sadd.s32 $0x493E0, s22;
	s23 =	sadd.s32 $0xCB55, s20  }
0x1a9: {  	[tilespmem:s23], [sflag:$0x2] =	stream.linear.gather [spmem:s21], $0x1, $0x38;
	[tilespmem:$0xD550] =	vst v63  }
0x1aa: {  	s21 =	sadd.s32 $0x61A80, s22;
	s23 =	sadd.s32 $0xCD55, s20  }
0x1ab: {  	[tilespmem:s23], [sflag:$0x2] =	stream.linear.gather [spmem:s21], $0x1, $0x38;
	[tilespmem:$0xD550] =	vst v63  }
0x1ac: {  	s21 =	sadd.s32 $0x7A120, s22;
	s23 =	sadd.s32 $0xCF55, s20  }
0x1ad: {  	[tilespmem:s23], [sflag:$0x2] =	stream.linear.gather [spmem:s21], $0x1, $0x38;
	[tilespmem:$0xD550] =	vst v63  }
0x1ae: {  	s21 =	sadd.s32 $0x927C0, s22;
	s23 =	sadd.s32 $0xD155, s20  }
0x1af: {  	[tilespmem:s23], [sflag:$0x2] =	stream.linear.gather [spmem:s21], $0x1, $0x38;
	[tilespmem:$0xD550] =	vst v63  }
0x1b0: {  	s21 =	sadd.s32 $0xAAE60, s22;
	s22 =	sadd.s32 $0xD355, s20  }
0x1b1: {  	[tilespmem:s22], [sflag:$0x2] =	stream.linear.gather [spmem:s21], $0x1, $0x38;
	[tilespmem:$0xD550] =	vst v63  }
0x1b2: {  	s21 =	sadd.s32 $0xC556, s20;
	s22 =	spop (v2sf)  }
0x1b3: {  	[tilespmem:s21], [sflag:$0x2] =	stream.linear.gather [spmem:s22], $0x1, $0x38;
	(v2sf) =	vpush v0, $0x7;
	[tilespmem:$0xD550] =	vst v63  }
0x1b4: {  	s23 =	sadd.s32 $0xC756, s20;
	s21 =	sadd.s32 $0x186A0, s22  }
0x1b5: {  	[tilespmem:s23], [sflag:$0x2] =	stream.linear.gather [spmem:s21], $0x1, $0x38;
	[tilespmem:$0xD550] =	vst v63  }
0x1b6: {  	s21 =	sadd.s32 $0x30D40, s22;
	s23 =	sadd.s32 $0xC956, s20  }
0x1b7: {  	[tilespmem:s23], [sflag:$0x2] =	stream.linear.gather [spmem:s21], $0x1, $0x38;
	[tilespmem:$0xD550] =	vst v63  }
0x1b8: {  	s21 =	sadd.s32 $0x493E0, s22;
	s23 =	sadd.s32 $0xCB56, s20  }
0x1b9: {  	[tilespmem:s23], [sflag:$0x2] =	stream.linear.gather [spmem:s21], $0x1, $0x38;
	[tilespmem:$0xD550] =	vst v63  }
0x1ba: {  	s21 =	sadd.s32 $0x61A80, s22;
	s23 =	sadd.s32 $0xCD56, s20  }
0x1bb: {  	[tilespmem:s23], [sflag:$0x2] =	stream.linear.gather [spmem:s21], $0x1, $0x38;
	[tilespmem:$0xD550] =	vst v63  }
0x1bc: {  	s21 =	sadd.s32 $0x7A120, s22;
	s23 =	sadd.s32 $0xCF56, s20  }
0x1bd: {  	[tilespmem:s23], [sflag:$0x2] =	stream.linear.gather [spmem:s21], $0x1, $0x38;
	[tilespmem:$0xD550] =	vst v63  }
0x1be: {  	s21 =	sadd.s32 $0x927C0, s22;
	s23 =	sadd.s32 $0xD156, s20  }
0x1bf: {  	[tilespmem:s23], [sflag:$0x2] =	stream.linear.gather [spmem:s21], $0x1, $0x38;
	[tilespmem:$0xD550] =	vst v63  }
0x1c0: {  	s21 =	sadd.s32 $0xAAE60, s22;
	s22 =	sadd.s32 $0xD356, s20  }
0x1c1: {  	[tilespmem:s22], [sflag:$0x2] =	stream.linear.gather [spmem:s21], $0x1, $0x38;
	[tilespmem:$0xD550] =	vst v63  }
0x1c2: {  	s21 =	sadd.s32 $0xC557, s20;
	s22 =	spop (v2sf)  }
0x1c3: {  	[tilespmem:s21], [sflag:$0x2] =	stream.linear.gather [spmem:s22], $0x1, $0x38;
	(v2sf) =	vpush v0, $0x8;
	[tilespmem:$0xD550] =	vst v63  }
0x1c4: {  	s23 =	sadd.s32 $0xC757, s20;
	s21 =	sadd.s32 $0x186A0, s22  }
0x1c5: {  	[tilespmem:s23], [sflag:$0x2] =	stream.linear.gather [spmem:s21], $0x1, $0x38;
	[tilespmem:$0xD550] =	vst v63  }
0x1c6: {  	s21 =	sadd.s32 $0x30D40, s22;
	s23 =	sadd.s32 $0xC957, s20  }
0x1c7: {  	[tilespmem:s23], [sflag:$0x2] =	stream.linear.gather [spmem:s21], $0x1, $0x38;
	[tilespmem:$0xD550] =	vst v63  }
0x1c8: {  	s21 =	sadd.s32 $0x493E0, s22;
	s23 =	sadd.s32 $0xCB57, s20  }
0x1c9: {  	[tilespmem:s23], [sflag:$0x2] =	stream.linear.gather [spmem:s21], $0x1, $0x38;
	[tilespmem:$0xD550] =	vst v63  }
0x1ca: {  	s21 =	sadd.s32 $0x61A80, s22;
	s23 =	sadd.s32 $0xCD57, s20  }
0x1cb: {  	[tilespmem:s23], [sflag:$0x2] =	stream.linear.gather [spmem:s21], $0x1, $0x38;
	[tilespmem:$0xD550] =	vst v63  }
0x1cc: {  	s21 =	sadd.s32 $0x7A120, s22;
	s23 =	sadd.s32 $0xCF57, s20  }
0x1cd: {  	[tilespmem:s23], [sflag:$0x2] =	stream.linear.gather [spmem:s21], $0x1, $0x38;
	[tilespmem:$0xD550] =	vst v63  }
0x1ce: {  	s21 =	sadd.s32 $0x927C0, s22;
	s23 =	sadd.s32 $0xD157, s20  }
0x1cf: {  	[tilespmem:s23], [sflag:$0x2] =	stream.linear.gather [spmem:s21], $0x1, $0x38;
	[tilespmem:$0xD550] =	vst v63  }
0x1d0: {  	s21 =	sadd.s32 $0xAAE60, s22;
	s22 =	sadd.s32 $0xD357, s20  }
0x1d1: {  	[tilespmem:s22], [sflag:$0x2] =	stream.linear.gather [spmem:s21], $0x1, $0x38;
	[tilespmem:$0xD550] =	vst v63  }
0x1d2: {  	s21 =	sadd.s32 $0xC558, s20;
	s22 =	spop (v2sf)  }
0x1d3: {  	[tilespmem:s21], [sflag:$0x2] =	stream.linear.gather [spmem:s22], $0x1, $0x38;
	(v2sf) =	vpush v0, $0x9;
	[tilespmem:$0xD550] =	vst v63  }
0x1d4: {  	s23 =	sadd.s32 $0xC758, s20;
	s21 =	sadd.s32 $0x186A0, s22  }
0x1d5: {  	[tilespmem:s23], [sflag:$0x2] =	stream.linear.gather [spmem:s21], $0x1, $0x38;
	[tilespmem:$0xD550] =	vst v63  }
0x1d6: {  	s21 =	sadd.s32 $0x30D40, s22;
	s23 =	sadd.s32 $0xC958, s20  }
0x1d7: {  	[tilespmem:s23], [sflag:$0x2] =	stream.linear.gather [spmem:s21], $0x1, $0x38;
	[tilespmem:$0xD550] =	vst v63  }
0x1d8: {  	s21 =	sadd.s32 $0x493E0, s22;
	s23 =	sadd.s32 $0xCB58, s20  }
0x1d9: {  	[tilespmem:s23], [sflag:$0x2] =	stream.linear.gather [spmem:s21], $0x1, $0x38;
	[tilespmem:$0xD550] =	vst v63  }
0x1da: {  	s21 =	sadd.s32 $0x61A80, s22;
	s23 =	sadd.s32 $0xCD58, s20  }
0x1db: {  	[tilespmem:s23], [sflag:$0x2] =	stream.linear.gather [spmem:s21], $0x1, $0x38;
	[tilespmem:$0xD550] =	vst v63  }
0x1dc: {  	s21 =	sadd.s32 $0x7A120, s22;
	s23 =	sadd.s32 $0xCF58, s20  }
0x1dd: {  	[tilespmem:s23], [sflag:$0x2] =	stream.linear.gather [spmem:s21], $0x1, $0x38;
	[tilespmem:$0xD550] =	vst v63  }
0x1de: {  	s21 =	sadd.s32 $0x927C0, s22;
	s23 =	sadd.s32 $0xD158, s20  }
0x1df: {  	[tilespmem:s23], [sflag:$0x2] =	stream.linear.gather [spmem:s21], $0x1, $0x38;
	[tilespmem:$0xD550] =	vst v63  }
0x1e0: {  	s21 =	sadd.s32 $0xAAE60, s22;
	s22 =	sadd.s32 $0xD358, s20  }
0x1e1: {  	[tilespmem:s22], [sflag:$0x2] =	stream.linear.gather [spmem:s21], $0x1, $0x38;
	[tilespmem:$0xD550] =	vst v63  }
0x1e2: {  	s21 =	sadd.s32 $0xC559, s20;
	s22 =	spop (v2sf)  }
0x1e3: {  	[tilespmem:s21], [sflag:$0x2] =	stream.linear.gather [spmem:s22], $0x1, $0x38;
	(v2sf) =	vpush v0, $0xA;
	[tilespmem:$0xD550] =	vst v63  }
0x1e4: {  	s23 =	sadd.s32 $0xC759, s20;
	s21 =	sadd.s32 $0x186A0, s22  }
0x1e5: {  	[tilespmem:s23], [sflag:$0x2] =	stream.linear.gather [spmem:s21], $0x1, $0x38;
	[tilespmem:$0xD550] =	vst v63  }
0x1e6: {  	s21 =	sadd.s32 $0x30D40, s22;
	s23 =	sadd.s32 $0xC959, s20  }
0x1e7: {  	[tilespmem:s23], [sflag:$0x2] =	stream.linear.gather [spmem:s21], $0x1, $0x38;
	[tilespmem:$0xD550] =	vst v63  }
0x1e8: {  	s21 =	sadd.s32 $0x493E0, s22;
	s23 =	sadd.s32 $0xCB59, s20  }
0x1e9: {  	[tilespmem:s23], [sflag:$0x2] =	stream.linear.gather [spmem:s21], $0x1, $0x38;
	[tilespmem:$0xD550] =	vst v63  }
0x1ea: {  	s21 =	sadd.s32 $0x61A80, s22;
	s23 =	sadd.s32 $0xCD59, s20  }
0x1eb: {  	[tilespmem:s23], [sflag:$0x2] =	stream.linear.gather [spmem:s21], $0x1, $0x38;
	[tilespmem:$0xD550] =	vst v63  }
0x1ec: {  	s21 =	sadd.s32 $0x7A120, s22;
	s23 =	sadd.s32 $0xCF59, s20  }
0x1ed: {  	[tilespmem:s23], [sflag:$0x2] =	stream.linear.gather [spmem:s21], $0x1, $0x38;
	[tilespmem:$0xD550] =	vst v63  }
0x1ee: {  	s21 =	sadd.s32 $0x927C0, s22;
	s23 =	sadd.s32 $0xD159, s20  }
0x1ef: {  	[tilespmem:s23], [sflag:$0x2] =	stream.linear.gather [spmem:s21], $0x1, $0x38;
	[tilespmem:$0xD550] =	vst v63  }
0x1f0: {  	s21 =	sadd.s32 $0xAAE60, s22;
	s22 =	sadd.s32 $0xD359, s20  }
0x1f1: {  	[tilespmem:s22], [sflag:$0x2] =	stream.linear.gather [spmem:s21], $0x1, $0x38;
	[tilespmem:$0xD550] =	vst v63  }
0x1f2: {  	s21 =	sadd.s32 $0xC55A, s20;
	s22 =	spop (v2sf)  }
0x1f3: {  	[tilespmem:s21], [sflag:$0x2] =	stream.linear.gather [spmem:s22], $0x1, $0x38;
	(v2sf) =	vpush v0, $0xB;
	[tilespmem:$0xD550] =	vst v63  }
0x1f4: {  	s23 =	sadd.s32 $0xC75A, s20;
	s21 =	sadd.s32 $0x186A0, s22  }
0x1f5: {  	[tilespmem:s23], [sflag:$0x2] =	stream.linear.gather [spmem:s21], $0x1, $0x38;
	[tilespmem:$0xD550] =	vst v63  }
0x1f6: {  	s21 =	sadd.s32 $0x30D40, s22;
	s23 =	sadd.s32 $0xC95A, s20  }
0x1f7: {  	[tilespmem:s23], [sflag:$0x2] =	stream.linear.gather [spmem:s21], $0x1, $0x38;
	[tilespmem:$0xD550] =	vst v63  }
0x1f8: {  	s21 =	sadd.s32 $0x493E0, s22;
	s23 =	sadd.s32 $0xCB5A, s20  }
0x1f9: {  	[tilespmem:s23], [sflag:$0x2] =	stream.linear.gather [spmem:s21], $0x1, $0x38;
	[tilespmem:$0xD550] =	vst v63  }
0x1fa: {  	s21 =	sadd.s32 $0x61A80, s22;
	s23 =	sadd.s32 $0xCD5A, s20  }
0x1fb: {  	[tilespmem:s23], [sflag:$0x2] =	stream.linear.gather [spmem:s21], $0x1, $0x38;
	[tilespmem:$0xD550] =	vst v63  }
0x1fc: {  	s21 =	sadd.s32 $0x7A120, s22;
	s23 =	sadd.s32 $0xCF5A, s20  }
0x1fd: {  	[tilespmem:s23], [sflag:$0x2] =	stream.linear.gather [spmem:s21], $0x1, $0x38;
	[tilespmem:$0xD550] =	vst v63  }
0x1fe: {  	s21 =	sadd.s32 $0x927C0, s22;
	s23 =	sadd.s32 $0xD15A, s20  }
0x1ff: {  	[tilespmem:s23], [sflag:$0x2] =	stream.linear.gather [spmem:s21], $0x1, $0x38;
	[tilespmem:$0xD550] =	vst v63  }
0x200: {  	s21 =	sadd.s32 $0xAAE60, s22;
	s22 =	sadd.s32 $0xD35A, s20  }
0x201: {  	[tilespmem:s22], [sflag:$0x2] =	stream.linear.gather [spmem:s21], $0x1, $0x38;
	[tilespmem:$0xD550] =	vst v63  }
0x202: {  	s21 =	sadd.s32 $0xC55B, s20;
	s22 =	spop (v2sf)  }
0x203: {  	[tilespmem:s21], [sflag:$0x2] =	stream.linear.gather [spmem:s22], $0x1, $0x38;
	(v2sf) =	vpush v0, $0xC;
	[tilespmem:$0xD550] =	vst v63  }
0x204: {  	s23 =	sadd.s32 $0xC75B, s20;
	s21 =	sadd.s32 $0x186A0, s22  }
0x205: {  	[tilespmem:s23], [sflag:$0x2] =	stream.linear.gather [spmem:s21], $0x1, $0x38;
	[tilespmem:$0xD550] =	vst v63  }
0x206: {  	s21 =	sadd.s32 $0x30D40, s22;
	s23 =	sadd.s32 $0xC95B, s20  }
0x207: {  	[tilespmem:s23], [sflag:$0x2] =	stream.linear.gather [spmem:s21], $0x1, $0x38;
	[tilespmem:$0xD550] =	vst v63  }
0x208: {  	s21 =	sadd.s32 $0x493E0, s22;
	s23 =	sadd.s32 $0xCB5B, s20  }
0x209: {  	[tilespmem:s23], [sflag:$0x2] =	stream.linear.gather [spmem:s21], $0x1, $0x38;
	[tilespmem:$0xD550] =	vst v63  }
0x20a: {  	s21 =	sadd.s32 $0x61A80, s22;
	s23 =	sadd.s32 $0xCD5B, s20  }
0x20b: {  	[tilespmem:s23], [sflag:$0x2] =	stream.linear.gather [spmem:s21], $0x1, $0x38;
	[tilespmem:$0xD550] =	vst v63  }
0x20c: {  	s21 =	sadd.s32 $0x7A120, s22;
	s23 =	sadd.s32 $0xCF5B, s20  }
0x20d: {  	[tilespmem:s23], [sflag:$0x2] =	stream.linear.gather [spmem:s21], $0x1, $0x38;
	[tilespmem:$0xD550] =	vst v63  }
0x20e: {  	s21 =	sadd.s32 $0x927C0, s22;
	s23 =	sadd.s32 $0xD15B, s20  }
0x20f: {  	[tilespmem:s23], [sflag:$0x2] =	stream.linear.gather [spmem:s21], $0x1, $0x38;
	[tilespmem:$0xD550] =	vst v63  }
0x210: {  	s21 =	sadd.s32 $0xAAE60, s22;
	s22 =	sadd.s32 $0xD35B, s20  }
0x211: {  	[tilespmem:s22], [sflag:$0x2] =	stream.linear.gather [spmem:s21], $0x1, $0x38;
	[tilespmem:$0xD550] =	vst v63  }
0x212: {  	s21 =	sadd.s32 $0xC55C, s20;
	s22 =	spop (v2sf)  }
0x213: {  	[tilespmem:s21], [sflag:$0x2] =	stream.linear.gather [spmem:s22], $0x1, $0x38;
	(v2sf) =	vpush v0, $0xD;
	[tilespmem:$0xD550] =	vst v63  }
0x214: {  	s23 =	sadd.s32 $0xC75C, s20;
	s21 =	sadd.s32 $0x186A0, s22  }
0x215: {  	[tilespmem:s23], [sflag:$0x2] =	stream.linear.gather [spmem:s21], $0x1, $0x38;
	[tilespmem:$0xD550] =	vst v63  }
0x216: {  	s21 =	sadd.s32 $0x30D40, s22;
	s23 =	sadd.s32 $0xC95C, s20  }
0x217: {  	[tilespmem:s23], [sflag:$0x2] =	stream.linear.gather [spmem:s21], $0x1, $0x38;
	[tilespmem:$0xD550] =	vst v63  }
0x218: {  	s21 =	sadd.s32 $0x493E0, s22;
	s23 =	sadd.s32 $0xCB5C, s20  }
0x219: {  	[tilespmem:s23], [sflag:$0x2] =	stream.linear.gather [spmem:s21], $0x1, $0x38;
	[tilespmem:$0xD550] =	vst v63  }
0x21a: {  	s21 =	sadd.s32 $0x61A80, s22;
	s23 =	sadd.s32 $0xCD5C, s20  }
0x21b: {  	[tilespmem:s23], [sflag:$0x2] =	stream.linear.gather [spmem:s21], $0x1, $0x38;
	[tilespmem:$0xD550] =	vst v63  }
0x21c: {  	s21 =	sadd.s32 $0x7A120, s22;
	s23 =	sadd.s32 $0xCF5C, s20  }
0x21d: {  	[tilespmem:s23], [sflag:$0x2] =	stream.linear.gather [spmem:s21], $0x1, $0x38;
	[tilespmem:$0xD550] =	vst v63  }
0x21e: {  	s21 =	sadd.s32 $0x927C0, s22;
	s23 =	sadd.s32 $0xD15C, s20  }
0x21f: {  	[tilespmem:s23], [sflag:$0x2] =	stream.linear.gather [spmem:s21], $0x1, $0x38;
	[tilespmem:$0xD550] =	vst v63  }
0x220: {  	s21 =	sadd.s32 $0xAAE60, s22;
	s22 =	sadd.s32 $0xD35C, s20  }
0x221: {  	[tilespmem:s22], [sflag:$0x2] =	stream.linear.gather [spmem:s21], $0x1, $0x38;
	[tilespmem:$0xD550] =	vst v63  }
0x222: {  	s21 =	sadd.s32 $0xC55D, s20;
	s22 =	spop (v2sf)  }
0x223: {  	[tilespmem:s21], [sflag:$0x2] =	stream.linear.gather [spmem:s22], $0x1, $0x38;
	(v2sf) =	vpush v0, $0xE;
	[tilespmem:$0xD550] =	vst v63  }
0x224: {  	s23 =	sadd.s32 $0xC75D, s20;
	s21 =	sadd.s32 $0x186A0, s22  }
0x225: {  	[tilespmem:s23], [sflag:$0x2] =	stream.linear.gather [spmem:s21], $0x1, $0x38;
	[tilespmem:$0xD550] =	vst v63  }
0x226: {  	s21 =	sadd.s32 $0x30D40, s22;
	s23 =	sadd.s32 $0xC95D, s20  }
0x227: {  	[tilespmem:s23], [sflag:$0x2] =	stream.linear.gather [spmem:s21], $0x1, $0x38;
	[tilespmem:$0xD550] =	vst v63  }
0x228: {  	s21 =	sadd.s32 $0x493E0, s22;
	s23 =	sadd.s32 $0xCB5D, s20  }
0x229: {  	[tilespmem:s23], [sflag:$0x2] =	stream.linear.gather [spmem:s21], $0x1, $0x38;
	[tilespmem:$0xD550] =	vst v63  }
0x22a: {  	s21 =	sadd.s32 $0x61A80, s22;
	s23 =	sadd.s32 $0xCD5D, s20  }
0x22b: {  	[tilespmem:s23], [sflag:$0x2] =	stream.linear.gather [spmem:s21], $0x1, $0x38;
	[tilespmem:$0xD550] =	vst v63  }
0x22c: {  	s21 =	sadd.s32 $0x7A120, s22;
	s23 =	sadd.s32 $0xCF5D, s20  }
0x22d: {  	[tilespmem:s23], [sflag:$0x2] =	stream.linear.gather [spmem:s21], $0x1, $0x38;
	[tilespmem:$0xD550] =	vst v63  }
0x22e: {  	s21 =	sadd.s32 $0x927C0, s22;
	s23 =	sadd.s32 $0xD15D, s20  }
0x22f: {  	[tilespmem:s23], [sflag:$0x2] =	stream.linear.gather [spmem:s21], $0x1, $0x38;
	[tilespmem:$0xD550] =	vst v63  }
0x230: {  	s21 =	sadd.s32 $0xAAE60, s22;
	s22 =	sadd.s32 $0xD35D, s20  }
0x231: {  	[tilespmem:s22], [sflag:$0x2] =	stream.linear.gather [spmem:s21], $0x1, $0x38;
	[tilespmem:$0xD550] =	vst v63  }
0x232: {  	s21 =	sadd.s32 $0xC55E, s20;
	s22 =	spop (v2sf)  }
0x233: {  	[tilespmem:s21], [sflag:$0x2] =	stream.linear.gather [spmem:s22], $0x1, $0x38;
	(v2sf) =	vpush v0, $0xF;
	[tilespmem:$0xD550] =	vst v63  }
0x234: {  	s23 =	sadd.s32 $0xC75E, s20;
	s21 =	sadd.s32 $0x186A0, s22  }
0x235: {  	[tilespmem:s23], [sflag:$0x2] =	stream.linear.gather [spmem:s21], $0x1, $0x38;
	[tilespmem:$0xD550] =	vst v63  }
0x236: {  	s21 =	sadd.s32 $0x30D40, s22;
	s23 =	sadd.s32 $0xC95E, s20  }
0x237: {  	[tilespmem:s23], [sflag:$0x2] =	stream.linear.gather [spmem:s21], $0x1, $0x38;
	[tilespmem:$0xD550] =	vst v63  }
0x238: {  	s21 =	sadd.s32 $0x493E0, s22;
	s23 =	sadd.s32 $0xCB5E, s20  }
0x239: {  	[tilespmem:s23], [sflag:$0x2] =	stream.linear.gather [spmem:s21], $0x1, $0x38;
	[tilespmem:$0xD550] =	vst v63  }
0x23a: {  	s21 =	sadd.s32 $0x61A80, s22;
	s23 =	sadd.s32 $0xCD5E, s20  }
0x23b: {  	[tilespmem:s23], [sflag:$0x2] =	stream.linear.gather [spmem:s21], $0x1, $0x38;
	[tilespmem:$0xD550] =	vst v63  }
0x23c: {  	s21 =	sadd.s32 $0x7A120, s22;
	s23 =	sadd.s32 $0xCF5E, s20  }
0x23d: {  	[tilespmem:s23], [sflag:$0x2] =	stream.linear.gather [spmem:s21], $0x1, $0x38;
	[tilespmem:$0xD550] =	vst v63  }
0x23e: {  	s21 =	sadd.s32 $0x927C0, s22;
	s23 =	sadd.s32 $0xD15E, s20  }
0x23f: {  	[tilespmem:s23], [sflag:$0x2] =	stream.linear.gather [spmem:s21], $0x1, $0x38;
	[tilespmem:$0xD550] =	vst v63  }
0x240: {  	s21 =	sadd.s32 $0xAAE60, s22;
	s22 =	sadd.s32 $0xD35E, s20  }
0x241: {  	[tilespmem:s22], [sflag:$0x2] =	stream.linear.gather [spmem:s21], $0x1, $0x38;
	[tilespmem:$0xD550] =	vst v63  }
0x242: {  	s21 =	sadd.s32 $0xC55F, s20;
	s22 =	spop (v2sf)  }
0x243: {  	[tilespmem:s21], [sflag:$0x2] =	stream.linear.gather [spmem:s22], $0x1, $0x38;
	[tilespmem:$0xD550] =	vst v63  }
0x244: {  	s23 =	sadd.s32 $0xC75F, s20;
	s21 =	sadd.s32 $0x186A0, s22  }
0x245: {  	[tilespmem:s23], [sflag:$0x2] =	stream.linear.gather [spmem:s21], $0x1, $0x38;
	[tilespmem:$0xD550] =	vst v63  }
0x246: {  	s21 =	sadd.s32 $0x30D40, s22;
	s23 =	sadd.s32 $0xC95F, s20  }
0x247: {  	[tilespmem:s23], [sflag:$0x2] =	stream.linear.gather [spmem:s21], $0x1, $0x38;
	[tilespmem:$0xD550] =	vst v63  }
0x248: {  	s21 =	sadd.s32 $0x493E0, s22;
	s23 =	sadd.s32 $0xCB5F, s20  }
0x249: {  	[tilespmem:s23], [sflag:$0x2] =	stream.linear.gather [spmem:s21], $0x1, $0x38;
	[tilespmem:$0xD550] =	vst v63  }
0x24a: {  	s21 =	sadd.s32 $0x61A80, s22;
	s23 =	sadd.s32 $0xCD5F, s20  }
0x24b: {  	[tilespmem:s23], [sflag:$0x2] =	stream.linear.gather [spmem:s21], $0x1, $0x38;
	[tilespmem:$0xD550] =	vst v63  }
0x24c: {  	s21 =	sadd.s32 $0x7A120, s22;
	s23 =	sadd.s32 $0xCF5F, s20  }
0x24d: {  	[tilespmem:s23], [sflag:$0x2] =	stream.linear.gather [spmem:s21], $0x1, $0x38;
	[tilespmem:$0xD550] =	vst v63  }
0x24e: {  	s21 =	sadd.s32 $0x927C0, s22;
	s23 =	sadd.s32 $0xD15F, s20  }
0x24f: {  	[tilespmem:s23], [sflag:$0x2] =	stream.linear.gather [spmem:s21], $0x1, $0x38;
	[tilespmem:$0xD550] =	vst v63  }
0x250: {  	p1 =	slt.u32 s19, $0x2;
	s20 =	sadd.s32 $0xD35F, s20;
	s21 =	sadd.s32 $0xAAE60, s22  }
0x251: {  	[tilespmem:s20], [sflag:$0x2] =	stream.linear.gather [spmem:s21], $0x1, $0x38;
	[tilespmem:$0xD550] =	vst v63  }
0x252: {  	s21 =	simm.s32 @!p1 $0x2  }
0x253: {  	_ =	swait.ge @!p1 [sflag:s21], $0x8  }
0x254: {  	[sflag:s21] =	ssyncset.done @!p1 $0x0  }
0x255: {  	[sflag:s21] =	ssyncadd.s32 @!p1 $0xFFFFFFF8  }
0x256: {  	_ =	swait.ge @!p1 [sflag:s21], $0x8  }
0x257: {  	[sflag:s21] =	ssyncset.done @!p1 $0x0  }
0x258: {  	[sflag:s21] =	ssyncadd.s32 @!p1 $0xFFFFFFF8  }
0x259: {  	_ =	swait.ge @!p1 [sflag:s21], $0x8  }
0x25a: {  	[sflag:s21] =	ssyncset.done @!p1 $0x0  }
0x25b: {  	[sflag:s21] =	ssyncadd.s32 @!p1 $0xFFFFFFF8  }
0x25c: {  	_ =	swait.ge @!p1 [sflag:s21], $0x8  }
0x25d: {  	[sflag:s21] =	ssyncset.done @!p1 $0x0  }
0x25e: {  	[sflag:s21] =	ssyncadd.s32 @!p1 $0xFFFFFFF8  }
0x25f: {  	_ =	swait.ge @!p1 [sflag:s21], $0x8  }
0x260: {  	[sflag:s21] =	ssyncset.done @!p1 $0x0  }
0x261: {  	[sflag:s21] =	ssyncadd.s32 @!p1 $0xFFFFFFF8  }
0x262: {  	_ =	swait.ge @!p1 [sflag:s21], $0x8  }
0x263: {  	[sflag:s21] =	ssyncset.done @!p1 $0x0  }
0x264: {  	[sflag:s21] =	ssyncadd.s32 @!p1 $0xFFFFFFF8  }
0x265: {  	_ =	swait.ge @!p1 [sflag:s21], $0x8  }
0x266: {  	[sflag:s21] =	ssyncset.done @!p1 $0x0  }
0x267: {  	[sflag:s21] =	ssyncadd.s32 @!p1 $0xFFFFFFF8  }
0x268: {  	_ =	swait.ge @!p1 [sflag:s21], $0x8  }
0x269: {  	[sflag:s21] =	ssyncset.done @!p1 $0x0  }
0x26a: {  	[sflag:s21] =	ssyncadd.s32 @!p1 $0xFFFFFFF8  }
0x26b: {  	_ =	swait.ge @!p1 [sflag:s21], $0x8  }
0x26c: {  	[sflag:s21] =	ssyncset.done @!p1 $0x0  }
0x26d: {  	[sflag:s21] =	ssyncadd.s32 @!p1 $0xFFFFFFF8  }
0x26e: {  	_ =	swait.ge @!p1 [sflag:s21], $0x8  }
0x26f: {  	[sflag:s21] =	ssyncset.done @!p1 $0x0  }
0x270: {  	[sflag:s21] =	ssyncadd.s32 @!p1 $0xFFFFFFF8  }
0x271: {  	_ =	swait.ge @!p1 [sflag:s21], $0x8  }
0x272: {  	[sflag:s21] =	ssyncset.done @!p1 $0x0  }
0x273: {  	[sflag:s21] =	ssyncadd.s32 @!p1 $0xFFFFFFF8  }
0x274: {  	_ =	swait.ge @!p1 [sflag:s21], $0x8  }
0x275: {  	[sflag:s21] =	ssyncset.done @!p1 $0x0  }
0x276: {  	[sflag:s21] =	ssyncadd.s32 @!p1 $0xFFFFFFF8  }
0x277: {  	_ =	swait.ge @!p1 [sflag:s21], $0x8  }
0x278: {  	[sflag:s21] =	ssyncset.done @!p1 $0x0  }
0x279: {  	[sflag:s21] =	ssyncadd.s32 @!p1 $0xFFFFFFF8  }
0x27a: {  	_ =	swait.ge @!p1 [sflag:s21], $0x8  }
0x27b: {  	[sflag:s21] =	ssyncset.done @!p1 $0x0  }
.Ltmp0:
0x27c: {  	[sflag:s21] =	ssyncadd.s32 @!p1 $0xFFFFFFF8;
	(pc) =	sbr.rel @p0 .LBB2_2-.Ltmp0, $4  }
0x27d: {  	_ =	swait.ge @!p1 [sflag:s21], $0x8  }
0x27e: {  	[sflag:s21] =	ssyncset.done @!p1 $0x0  }
0x27f: {  	[sflag:s21] =	ssyncadd.s32 @!p1 $0xFFFFFFF8  }
0x280: {  	_ =	swait.ge @!p1 [sflag:s21], $0x8  }
0x281: {  	[sflag:s21] =	ssyncset.done @!p1 $0x0  }
0x282: {  	[sflag:s21] =	ssyncadd.s32 @!p1 $0xFFFFFFF8  }
0x283: {  	_ =	swait.ge [sflag:s13], $0x8  }
0x284: {  	[sflag:s13] =	ssyncset.done $0x0  }
0x285: {  	[sflag:s13] =	ssyncadd.s32 $0xFFFFFFF8  }
0x286: {  	_ =	swait.ge [sflag:s13], $0x8  }
0x287: {  	[sflag:s13] =	ssyncset.done $0x0  }
0x288: {  	[sflag:s13] =	ssyncadd.s32 $0xFFFFFFF8  }
0x289: {  	_ =	swait.ge [sflag:s13], $0x8  }
0x28a: {  	[sflag:s13] =	ssyncset.done $0x0  }
0x28b: {  	[sflag:s13] =	ssyncadd.s32 $0xFFFFFFF8  }
0x28c: {  	_ =	swait.ge [sflag:s13], $0x8  }
0x28d: {  	[sflag:s13] =	ssyncset.done $0x0  }
0x28e: {  	[sflag:s13] =	ssyncadd.s32 $0xFFFFFFF8  }
0x28f: {  	_ =	swait.ge [sflag:s13], $0x8  }
0x290: {  	[sflag:s13] =	ssyncset.done $0x0  }
0x291: {  	[sflag:s13] =	ssyncadd.s32 $0xFFFFFFF8  }
0x292: {  	_ =	swait.ge [sflag:s13], $0x8  }
0x293: {  	[sflag:s13] =	ssyncset.done $0x0  }
0x294: {  	[sflag:s13] =	ssyncadd.s32 $0xFFFFFFF8  }
0x295: {  	_ =	swait.ge [sflag:s13], $0x8  }
0x296: {  	[sflag:s13] =	ssyncset.done $0x0  }
0x297: {  	[sflag:s13] =	ssyncadd.s32 $0xFFFFFFF8  }
0x298: {  	_ =	swait.ge [sflag:s13], $0x8  }
0x299: {  	[sflag:s13] =	ssyncset.done $0x0  }
0x29a: {  	[sflag:s13] =	ssyncadd.s32 $0xFFFFFFF8  }
0x29b: {  	_ =	swait.ge [sflag:s13], $0x8  }
0x29c: {  	[sflag:s13] =	ssyncset.done $0x0  }
0x29d: {  	[sflag:s13] =	ssyncadd.s32 $0xFFFFFFF8  }
0x29e: {  	_ =	swait.ge [sflag:s13], $0x8  }
0x29f: {  	[sflag:s13] =	ssyncset.done $0x0  }
0x2a0: {  	[sflag:s13] =	ssyncadd.s32 $0xFFFFFFF8  }
0x2a1: {  	_ =	swait.ge [sflag:s13], $0x8  }
0x2a2: {  	[sflag:s13] =	ssyncset.done $0x0  }
0x2a3: {  	[sflag:s13] =	ssyncadd.s32 $0xFFFFFFF8  }
0x2a4: {  	_ =	swait.ge [sflag:s13], $0x8  }
0x2a5: {  	[sflag:s13] =	ssyncset.done $0x0  }
0x2a6: {  	[sflag:s13] =	ssyncadd.s32 $0xFFFFFFF8  }
0x2a7: {  	_ =	swait.ge [sflag:s13], $0x8  }
0x2a8: {  	[sflag:s13] =	ssyncset.done $0x0  }
0x2a9: {  	[sflag:s13] =	ssyncadd.s32 $0xFFFFFFF8  }
0x2aa: {  	_ =	swait.ge [sflag:s13], $0x8  }
0x2ab: {  	[sflag:s13] =	ssyncset.done $0x0  }
0x2ac: {  	[sflag:s13] =	ssyncadd.s32 $0xFFFFFFF8  }
0x2ad: {  	_ =	swait.ge [sflag:s13], $0x8  }
0x2ae: {  	[sflag:s13] =	ssyncset.done $0x0  }
0x2af: {  	[sflag:s13] =	ssyncadd.s32 $0xFFFFFFF8  }
0x2b0: {  	_ =	swait.ge [sflag:s13], $0x8  }
0x2b1: {  	[sflag:s13] =	ssyncset.done $0x0  }
0x2b2: {  	[sflag:s13] =	ssyncadd.s32 $0xFFFFFFF8  }
0x2b3: {  	_ =	swait.ge [sflag:s13], $0x8  }
0x2b4: {  	[sflag:s13] =	ssyncset.done $0x0  }
0x2b5: {  	[sflag:s13] =	ssyncadd.s32 $0xFFFFFFF8  }
0x2b6: {  	_ =	swait.ge [sflag:s13], $0x8  }
0x2b7: {  	[sflag:s13] =	ssyncset.done $0x0  }
0x2b8: {  	[sflag:s13] =	ssyncadd.s32 $0xFFFFFFF8  }
0x2b9: {  	_ =	swait.ge [sflag:s13], $0x8  }
0x2ba: {  	[sflag:s13] =	ssyncset.done $0x0  }
0x2bb: {  	[sflag:s13] =	ssyncadd.s32 $0xFFFFFFF8  }
0x2bc: {  	_ =	swait.ge [sflag:s13], $0x8  }
0x2bd: {  	[sflag:s13] =	ssyncset.done $0x0  }
0x2be: {  	[sflag:s13] =	ssyncadd.s32 $0xFFFFFFF8  }
0x2bf: {  	_ =	swait.ge [sflag:s13], $0x8  }
0x2c0: {  	[sflag:s13] =	ssyncset.done $0x0  }
0x2c1: {  	[sflag:s13] =	ssyncadd.s32 $0xFFFFFFF8  }
0x2c2: {  	_ =	swait.ge [sflag:s13], $0x8  }
0x2c3: {  	[sflag:s13] =	ssyncset.done $0x0  }
0x2c4: {  	[sflag:s13] =	ssyncadd.s32 $0xFFFFFFF8  }
0x2c5: {  	_ =	swait.ge [sflag:s13], $0x8  }
0x2c6: {  	[sflag:s13] =	ssyncset.done $0x0  }
0x2c7: {  	[sflag:s13] =	ssyncadd.s32 $0xFFFFFFF8  }
0x2c8: {  	_ =	swait.ge [sflag:s13], $0x8  }
0x2c9: {  	[sflag:s13] =	ssyncset.done $0x0  }
0x2ca: {  	[sflag:s13] =	ssyncadd.s32 $0xFFFFFFF8  }
0x2cb: {  	_ =	swait.ge [sflag:s13], $0x8  }
0x2cc: {  	[sflag:s13] =	ssyncset.done $0x0  }
0x2cd: {  	[sflag:s13] =	ssyncadd.s32 $0xFFFFFFF8  }
0x2ce: {  	_ =	swait.ge [sflag:s13], $0x8  }
0x2cf: {  	[sflag:s13] =	ssyncset.done $0x0  }
0x2d0: {  	[sflag:s13] =	ssyncadd.s32 $0xFFFFFFF8  }
0x2d1: {  	_ =	swait.ge [sflag:s13], $0x8  }
0x2d2: {  	[sflag:s13] =	ssyncset.done $0x0  }
0x2d3: {  	[sflag:s13] =	ssyncadd.s32 $0xFFFFFFF8  }
0x2d4: {  	_ =	swait.ge [sflag:s13], $0x8  }
0x2d5: {  	[sflag:s13] =	ssyncset.done $0x0  }
0x2d6: {  	[sflag:s13] =	ssyncadd.s32 $0xFFFFFFF8  }
0x2d7: {  	_ =	swait.ge [sflag:s13], $0x8  }
0x2d8: {  	[sflag:s13] =	ssyncset.done $0x0  }
0x2d9: {  	[sflag:s13] =	ssyncadd.s32 $0xFFFFFFF8  }
0x2da: {  	_ =	swait.ge [sflag:s13], $0x8  }
0x2db: {  	[sflag:s13] =	ssyncset.done $0x0  }
0x2dc: {  	[sflag:s13] =	ssyncadd.s32 $0xFFFFFFF8  }
0x2dd: {  	_ =	swait.ge [sflag:s13], $0x8  }
0x2de: {  	[sflag:s13] =	ssyncset.done $0x0  }
0x2df: {  	[sflag:s13] =	ssyncadd.s32 $0xFFFFFFF8  }
0x2e0: {  	s17 =	sadd.s32 $0x1, s17;
	_ =	swait.ge [sflag:s13], $0x8  }
0x2e1: {  	p0 =	sne.s32 s17, s9;
	[sflag:s13] =	ssyncset.done $0x0  }
.Ltmp1:
0x2e2: {  	[sflag:s13] =	ssyncadd.s32 $0xFFFFFFF8;
	(pc) =	sbr.rel @p0 .LBB2_1-.Ltmp1, $4  }
0x2e3: {  	[hbm4b:s8+s14] =	stream.strided.scatter [tilespmem:s16], [sflag:$0x3], $0x1000, s15, s14, $0x38;
	[tilespmem:$0xD550] =	vst v63  }
0x2e4: {  	_ =	swait.ge [sflag:s11], $0x1000  }
0x2e5: {  	[sflag:s11] =	ssyncset.done $0x0  }
0x2e6: {  	[sflag:s11] =	ssyncadd.s32 $0xFFFFF000  }
0x2e7: {  	_ =	sfence.sel $0x180000  }
0x2e8: {  	[bflag:$0x0] =	sbarrier.arrive $0xFFFF  }
0x2e9: {  	p0 =	sne.s32 s1, $0x0;
	_ =	strace $0x90000047  }
0x2ea: {  	s0 =	sadd.s32 @!p0 $0x100000, s0;
	[bflag:$0x2] =	sbarrier.arrive $0xFFFF  }
0x2eb: {  	[sflag:s0] =	ssyncadd.tile.s32 @!p0 $0x1;
	_ =	shalt  }
.Lfunc_end2:
_tile_overlayer_lowered:
.L_overlay_start_2:
0x2ec: {  	(tag) =	ssettag $0x2  }
0x2ed: {  	s0 =	rddreg [dreg:$0x0];
	s2 =	stileid.u32  }
0x2ee: {  	s1 =	rddreg [dreg:$0x1];
	p0 =	sne.s32 s2, $0x0  }
0x2ef: {  	s3 =	rddreg [dreg:$0x2];
	[bflag:$0x3] =	sbarrier.arrive $0xFFFF;
	s2 =	simm.s32 @!p0 $0x1C03  }
0x2f0: {  	[timem:s3], [sflag:s2] =	dma.local @!p0 [hbm:s0], s1  }
0x2f1: {  	s0 =	simm.s32 @!p0 $0x3  }
0x2f2: {  	_ =	swait.ge @!p0 [sflag:s0], s1  }
0x2f3: {  	s1 =	ssub.s32 @!p0 $0x0, s1;
	[sflag:s0] =	ssyncset.done @!p0 $0x0  }
0x2f4: {  	[sflag:s0] =	ssyncadd.s32 @!p0 s1  }
0x2f5: {  	[bflag:$0x3] =	sbarrier.arrive $0xFFFF  }
0x2f6: {  	_ =	shalt  }

</sc_bundles>
